<compile_context>
chip_gen: v7x
topology: tpu7x:2x2x1
jax: 0.10.2.dev20260603
libtpu: 0.0.44.dev20260713+nightly
codegen_flags: <defaults>
</compile_context>

<pallas_src>
import functools

import jax
import jax.numpy as jnp
from jax import lax
from jax.experimental import pallas as pl
from jax.experimental.pallas import tpu as pltpu
from jax.experimental.pallas import tpu_sc as plsc

N = 10000
F = 128
E = 320000
NW = 32
LPT = 16
NPAD = 10240
NROWS = NPAD // 128
EPT_DEG = E // NW
CHUNKS = 80
EPAD = NW * CHUNKS * 128
BLK = 1024

_mesh = plsc.VectorSubcoreMesh(core_axis_name="c", subcore_axis_name="s")


@functools.partial(
    pl.kernel,
    mesh=_mesh,
    compiler_params=pltpu.CompilerParams(needs_layout_passes=False),
    out_type=jax.ShapeDtypeStruct((2 * NPAD,), jnp.float32),
    scratch_types=[
        pltpu.VMEM((EPT_DEG,), jnp.int32),
        pltpu.VMEM((NPAD,), jnp.float32),
        pltpu.VMEM((NPAD // 16,), jnp.float32),
        pltpu.VMEM((NPAD // 16,), jnp.float32),
        pltpu.VMEM_SHARED((16, NPAD), jnp.float32),
    ],
)
def _deg_kernel(row_hbm, out_hbm, idxbuf, hist, tmp, accb, shared):
    c = lax.axis_index("c")
    s = lax.axis_index("s")
    wid = c * 16 + s
    npt = NPAD // 16

    def _zero(i, _):
        hist[pl.ds(i * LPT, LPT)] = jnp.zeros((LPT,), jnp.float32)
        return 0
    lax.fori_loop(0, NPAD // LPT, _zero, 0)

    pltpu.sync_copy(row_hbm.at[pl.ds(wid * EPT_DEG, EPT_DEG)], idxbuf)
    ones = jnp.ones((LPT,), jnp.float32)

    def _acc(i, _):
        v = idxbuf[pl.ds(i * LPT, LPT)]
        plsc.addupdate_scatter(hist, [v], ones)
        return 0
    lax.fori_loop(0, EPT_DEG // LPT, _acc, 0)

    pltpu.sync_copy(hist, shared.at[s])
    plsc.subcore_barrier()

    def _zacc(i, _):
        accb[pl.ds(i * LPT, LPT)] = jnp.zeros((LPT,), jnp.float32)
        return 0
    lax.fori_loop(0, npt // LPT, _zacc, 0)

    def _red(t, _):
        pltpu.sync_copy(shared.at[t, pl.ds(s * npt, npt)], tmp)

        def _add(i, _):
            sl = pl.ds(i * LPT, LPT)
            accb[sl] = accb[sl] + tmp[sl]
            return 0
        lax.fori_loop(0, npt // LPT, _add, 0)
        return 0
    lax.fori_loop(0, 16, _red, 0)

    pltpu.sync_copy(accb, out_hbm.at[pl.ds(c * NPAD + s * npt, npt)])


@functools.partial(
    pl.kernel,
    mesh=_mesh,
    out_type=jax.ShapeDtypeStruct((2, NPAD, F), jnp.float32),
    scratch_types=[
        pltpu.VMEM((CHUNKS, 128), jnp.int32),
        pltpu.VMEM((CHUNKS, 128), jnp.int32),
        pltpu.VMEM((128, F), jnp.float32),
        pltpu.VMEM_SHARED((NPAD, F), jnp.float32),
        pltpu.SemaphoreType.DMA,
    ],
)
def _prop_kernel(y_hbm, row_hbm, col_hbm, zeros_hbm,
                 out_hbm, rowbuf, colbuf, gbuf, acc, gsem):
    c = lax.axis_index("c")
    s = lax.axis_index("s")
    wid = c * 16 + s
    rows_per_tile = NPAD // 16

    pltpu.sync_copy(zeros_hbm, acc.at[pl.ds(s * rows_per_tile, rows_per_tile)])

    pltpu.sync_copy(row_hbm.at[pl.ds(wid * CHUNKS, CHUNKS)], rowbuf)
    pltpu.sync_copy(col_hbm.at[pl.ds(wid * CHUNKS, CHUNKS)], colbuf)
    plsc.subcore_barrier()

    def _edge_chunk(j, _):
        pltpu.async_copy(y_hbm.at[rowbuf.at[j]], gbuf, gsem).wait()
        pltpu.sync_copy(gbuf, acc.at[colbuf.at[j]], add=True)
        return 0
    lax.fori_loop(0, CHUNKS, _edge_chunk, 0)
    plsc.subcore_barrier()

    pltpu.sync_copy(acc.at[pl.ds(s * rows_per_tile, rows_per_tile)],
                    out_hbm.at[c, pl.ds(s * rows_per_tile, rows_per_tile)])


def _lin1_body(degp_ref, x_ref, w_ref, b_ref, y_ref, dis_ref):
    deg = degp_ref[0] + degp_ref[1] + 1.0
    dis = lax.rsqrt(deg)
    y = lax.dot_general(x_ref[...], w_ref[...], (((1,), (1,)), ((), ())),
                        preferred_element_type=jnp.float32) + b_ref[...]
    y_ref[...] = y * dis
    dis_ref[...] = dis


def _lin2_body(p_ref, y1_ref, dis_ref, w_ref, b_ref, y2_ref):
    dis = dis_ref[...]
    x2 = jnp.maximum((p_ref[0] + p_ref[1] + y1_ref[...]) * dis, 0.0)
    y2 = lax.dot_general(x2, w_ref[...], (((1,), (1,)), ((), ())),
                         preferred_element_type=jnp.float32) + b_ref[...]
    y2_ref[...] = y2 * dis


def _final_body(p_ref, y2_ref, dis_ref, o_ref):
    o_ref[...] = jnp.maximum(
        (p_ref[0] + p_ref[1] + y2_ref[...]) * dis_ref[...], 0.0)


def _lin1(degp, xp, W1, b1):
    return pl.pallas_call(
        _lin1_body,
        grid=(NPAD // BLK,),
        in_specs=[
            pl.BlockSpec((2, BLK, 1), lambda i: (0, i, 0)),
            pl.BlockSpec((BLK, F), lambda i: (i, 0)),
            pl.BlockSpec((F, F), lambda i: (0, 0)),
            pl.BlockSpec((1, F), lambda i: (0, 0)),
        ],
        out_specs=[
            pl.BlockSpec((BLK, F), lambda i: (i, 0)),
            pl.BlockSpec((BLK, 1), lambda i: (i, 0)),
        ],
        out_shape=[
            jax.ShapeDtypeStruct((NPAD, F), jnp.float32),
            jax.ShapeDtypeStruct((NPAD, 1), jnp.float32),
        ],
    )(degp, xp, W1, b1.reshape(1, F))


def _lin2(p, y1, dis, W2, b2):
    return pl.pallas_call(
        _lin2_body,
        grid=(NPAD // BLK,),
        in_specs=[
            pl.BlockSpec((2, BLK, F), lambda i: (0, i, 0)),
            pl.BlockSpec((BLK, F), lambda i: (i, 0)),
            pl.BlockSpec((BLK, 1), lambda i: (i, 0)),
            pl.BlockSpec((F, F), lambda i: (0, 0)),
            pl.BlockSpec((1, F), lambda i: (0, 0)),
        ],
        out_specs=pl.BlockSpec((BLK, F), lambda i: (i, 0)),
        out_shape=jax.ShapeDtypeStruct((NPAD, F), jnp.float32),
    )(p, y1, dis, W2, b2.reshape(1, F))


def _final(p, y2, dis):
    return pl.pallas_call(
        _final_body,
        grid=(NPAD // BLK,),
        in_specs=[
            pl.BlockSpec((2, BLK, F), lambda i: (0, i, 0)),
            pl.BlockSpec((BLK, F), lambda i: (i, 0)),
            pl.BlockSpec((BLK, 1), lambda i: (i, 0)),
        ],
        out_specs=pl.BlockSpec((BLK, F), lambda i: (i, 0)),
        out_shape=jax.ShapeDtypeStruct((NPAD, F), jnp.float32),
    )(p, y2, dis)


def kernel(x, edge_index, W1, b1, W2, b2):
    row = edge_index[0].astype(jnp.int32)
    col = edge_index[1].astype(jnp.int32)

    npad_e = EPAD - E
    rowp = jnp.concatenate([row, jnp.zeros((npad_e,), jnp.int32)])
    colp = jnp.concatenate([col, jnp.full((npad_e,), NPAD - 1, jnp.int32)])
    rowp = rowp.reshape(NW * CHUNKS, 128)
    colp = colp.reshape(NW * CHUNKS, 128)

    degp = _deg_kernel(row).reshape(2, NPAD, 1)

    xp = jnp.pad(x[0], ((0, NPAD - N), (0, 0)))
    zeros = jnp.zeros((NPAD // 16, F), jnp.float32)

    y1, dis = _lin1(degp, xp, W1, b1)
    p1 = _prop_kernel(y1, rowp, colp, zeros)
    y2 = _lin2(p1, y1, dis, W2, b2)
    p2 = _prop_kernel(y2, rowp, colp, zeros)
    out = _final(p2, y2, dis)
    return out[:N].reshape(1, N, F)

# --- scband reference (transcript-rebuilt; emitter-appended) ---
"""Pipeline reference for scband-gconv-seq-7859790152279 (READ-ONLY COPY).

The authoritative reference and input builder live on the scoring server;
editing this copy changes nothing except your own understanding.
"""

import jax, jax.numpy as jnp
import numpy as np

N_NODES = 10000


def _gconv(x, edge_index, W, b):
    # add self loops
    n = N_NODES
    loops = jnp.arange(n, dtype=edge_index.dtype)
    ei = jnp.concatenate([edge_index, jnp.stack([loops, loops], axis=0)], axis=1)
    # linear layer
    x = x @ W.T + b
    row, col = ei[0], ei[1]
    # degree over row (source) nodes
    deg = jnp.zeros((n,), dtype=x.dtype).at[row].add(1.0)
    deg_inv_sqrt = deg ** -0.5
    norm = deg_inv_sqrt[row] * deg_inv_sqrt[col]
    # message: norm * x_j where x_j = x gathered at source nodes (node_dim=-2)
    msg = norm[None, :, None] * x[:, row, :]
    # aggregate (add) at target nodes
    out = jnp.zeros_like(x).at[:, col, :].add(msg)
    return out


def setup_inputs(seed: int = 0) -> dict:
    key = jax.random.key(seed)
    k1, k2, k3, k4 = jax.random.split(key, 4)
    x = jax.random.normal(k1, (1, N_NODES, 128), dtype=jnp.float32)
    edge_index = jax.random.randint(k2, (2, 320000), 0, N_NODES, dtype=jnp.int64)
    # xavier-uniform init for linear weights
    limit = np.sqrt(6.0 / (128 + 128))
    W1 = jax.random.uniform(k3, (128, 128), dtype=jnp.float32, minval=-limit, maxval=limit)
    b1 = jnp.zeros((128,), dtype=jnp.float32)
    W2 = jax.random.uniform(k4, (128, 128), dtype=jnp.float32, minval=-limit, maxval=limit)
    b2 = jnp.zeros((128,), dtype=jnp.float32)
    return {"x": x, "edge_index": edge_index, "W1": W1, "b1": b1, "W2": W2, "b2": b2}


def reference(x, edge_index, W1, b1, W2, b2):
    x = _gconv(x, edge_index, W1, b1)
    x = jax.nn.relu(x)
    x = _gconv(x, edge_index, W2, b2)
    x = jax.nn.relu(x)
    return x

if __name__ == "__main__":
    import jax
    _d = setup_inputs()
    print(jax.jit(kernel)(*tuple(_d.values())))

</pallas_src>

<mosaic_0001>
#map = affine_map<(d0, d1) -> (0, 0)>
#map1 = affine_map<(d0, d1) -> (0, 0, 0)>
module attributes {stable_mosaic.version = 14 : i64} {
  func.func @_prop_kernel(%arg0: i32, %arg1: i32, %arg2: memref<10240x128xf32, #tpu.memory_space<hbm>>, %arg3: memref<2560x128xi32, #tpu.memory_space<hbm>>, %arg4: memref<2560x128xi32, #tpu.memory_space<hbm>>, %arg5: memref<640x128xf32, #tpu.memory_space<hbm>>, %arg6: memref<2x10240x128xf32, #tpu.memory_space<hbm>>, %arg7: memref<80x128xi32, #tpu.memory_space<vmem>>, %arg8: memref<80x128xi32, #tpu.memory_space<vmem>>, %arg9: memref<128x128xf32, #tpu.memory_space<vmem>>, %arg10: memref<10240x128xf32, #tpu.memory_space<vmem_shared>>, %arg11: memref<!tpu.dma_semaphore, #tpu.memory_space<semaphore_mem>>) attributes {dimension_semantics = [#tpu.dimension_semantics<core_parallel>, #tpu.dimension_semantics<subcore_parallel>], iteration_bounds = array<i64: 2, 16>, scalar_prefetch = 0 : i64, scratch_operands = 5 : i64, tpu.core_type = #tpu.core_type<sc_vector_subcore>, window_params = [{transform_indices = #map}, {transform_indices = #map}, {transform_indices = #map}, {transform_indices = #map}, {transform_indices = #map1}]} {
    %mul3A = arith.constant 16 : i32
    %mul3A_0 = arith.muli %arg0, %mul3A : i32
    %add3A = arith.addi %mul3A_0, %arg1 : i32
    %mul3A_1 = arith.constant 640 : i32
    %mul3A_2 = arith.muli %arg1, %mul3A_1 : i32
    "tpu.region"() ({
      %run_scoped3A = tpu.sem_alloc : memref<!tpu.dma_semaphore, #tpu.memory_space<semaphore_mem>>
      %dma_start3A = arith.constant 0 : i32
      %dma_start3A_18 = tpu.memref_slice %arg10[%mul3A_2, %dma_start3A] : memref<10240x128xf32, #tpu.memory_space<vmem_shared>> -> memref<640x128xf32, #tpu.memory_space<vmem_shared>>
      tpu.enqueue_dma source(%arg5 : memref<640x128xf32, #tpu.memory_space<hbm>>) target(%dma_start3A_18 : memref<640x128xf32, #tpu.memory_space<vmem_shared>>) target_semaphore(%run_scoped3A : memref<!tpu.dma_semaphore, #tpu.memory_space<semaphore_mem>>)
      %dma_wait3A = arith.constant 0 : i32
      %dma_wait3A_19 = tpu.memref_slice %arg10[%mul3A_2, %dma_wait3A] : memref<10240x128xf32, #tpu.memory_space<vmem_shared>> -> memref<640x128xf32, #tpu.memory_space<vmem_shared>>
      tpu.wait_dma2 semaphore(%run_scoped3A : memref<!tpu.dma_semaphore, #tpu.memory_space<semaphore_mem>>) src(%arg5 : memref<640x128xf32, #tpu.memory_space<hbm>>) dst(%dma_wait3A_19 : memref<640x128xf32, #tpu.memory_space<vmem_shared>>)
      tpu.yield
    }) : () -> ()
    %mul3A_3 = arith.constant 80 : i32
    %mul3A_4 = arith.muli %add3A, %mul3A_3 : i32
    "tpu.region"() ({
      %run_scoped3A = tpu.sem_alloc : memref<!tpu.dma_semaphore, #tpu.memory_space<semaphore_mem>>
      %dma_start3A = arith.constant 0 : i32
      %dma_start3A_18 = tpu.memref_slice %arg3[%mul3A_4, %dma_start3A] : memref<2560x128xi32, #tpu.memory_space<hbm>> -> memref<80x128xi32, #tpu.memory_space<hbm>>
      %dma_start3A_19 = arith.constant 0 : i32
      %dma_start3A_20 = tpu.memref_slice %arg3[%mul3A_4, %dma_start3A_19] : memref<2560x128xi32, #tpu.memory_space<hbm>> -> memref<80x128xi32, #tpu.memory_space<hbm>>
      tpu.enqueue_dma source(%dma_start3A_20 : memref<80x128xi32, #tpu.memory_space<hbm>>) target(%arg7 : memref<80x128xi32, #tpu.memory_space<vmem>>) target_semaphore(%run_scoped3A : memref<!tpu.dma_semaphore, #tpu.memory_space<semaphore_mem>>)
      %dma_wait3A = arith.constant 0 : i32
      %dma_wait3A_21 = tpu.memref_slice %arg3[%mul3A_4, %dma_wait3A] : memref<2560x128xi32, #tpu.memory_space<hbm>> -> memref<80x128xi32, #tpu.memory_space<hbm>>
      %dma_wait3A_22 = arith.constant 0 : i32
      %dma_wait3A_23 = tpu.memref_slice %arg3[%mul3A_4, %dma_wait3A_22] : memref<2560x128xi32, #tpu.memory_space<hbm>> -> memref<80x128xi32, #tpu.memory_space<hbm>>
      tpu.wait_dma2 semaphore(%run_scoped3A : memref<!tpu.dma_semaphore, #tpu.memory_space<semaphore_mem>>) src(%dma_wait3A_23 : memref<80x128xi32, #tpu.memory_space<hbm>>) dst(%arg7 : memref<80x128xi32, #tpu.memory_space<vmem>>)
      tpu.yield
    }) : () -> ()
    %mul3A_5 = arith.constant 80 : i32
    %mul3A_6 = arith.muli %add3A, %mul3A_5 : i32
    "tpu.region"() ({
      %run_scoped3A = tpu.sem_alloc : memref<!tpu.dma_semaphore, #tpu.memory_space<semaphore_mem>>
      %dma_start3A = arith.constant 0 : i32
      %dma_start3A_18 = tpu.memref_slice %arg4[%mul3A_6, %dma_start3A] : memref<2560x128xi32, #tpu.memory_space<hbm>> -> memref<80x128xi32, #tpu.memory_space<hbm>>
      %dma_start3A_19 = arith.constant 0 : i32
      %dma_start3A_20 = tpu.memref_slice %arg4[%mul3A_6, %dma_start3A_19] : memref<2560x128xi32, #tpu.memory_space<hbm>> -> memref<80x128xi32, #tpu.memory_space<hbm>>
      tpu.enqueue_dma source(%dma_start3A_20 : memref<80x128xi32, #tpu.memory_space<hbm>>) target(%arg8 : memref<80x128xi32, #tpu.memory_space<vmem>>) target_semaphore(%run_scoped3A : memref<!tpu.dma_semaphore, #tpu.memory_space<semaphore_mem>>)
      %dma_wait3A = arith.constant 0 : i32
      %dma_wait3A_21 = tpu.memref_slice %arg4[%mul3A_6, %dma_wait3A] : memref<2560x128xi32, #tpu.memory_space<hbm>> -> memref<80x128xi32, #tpu.memory_space<hbm>>
      %dma_wait3A_22 = arith.constant 0 : i32
      %dma_wait3A_23 = tpu.memref_slice %arg4[%mul3A_6, %dma_wait3A_22] : memref<2560x128xi32, #tpu.memory_space<hbm>> -> memref<80x128xi32, #tpu.memory_space<hbm>>
      tpu.wait_dma2 semaphore(%run_scoped3A : memref<!tpu.dma_semaphore, #tpu.memory_space<semaphore_mem>>) src(%dma_wait3A_23 : memref<80x128xi32, #tpu.memory_space<hbm>>) dst(%arg8 : memref<80x128xi32, #tpu.memory_space<vmem>>)
      tpu.yield
    }) : () -> ()
    %barrier3A = arith.constant 0 : index
    tpu.barrier barrier_id(%barrier3A)
    %scan3A = arith.constant 0 : i32
    %scan3A_7 = arith.constant 0 : i32
    %scan3A_8 = arith.constant 80 : i32
    %scan3A_9 = arith.addi %scan3A_7, %scan3A_8 : i32
    %scan3A_10 = arith.constant 1 : i32
    %scan3A_11 = scf.for %scan3A_18 = %scan3A_7 to %scan3A_9 step %scan3A_10 iter_args(%scan3A_19 = %scan3A) -> (i32)  : i32 {
      %dma_start3A = arith.constant 0 : i32
      %dma_start3A_20 = tpu.memref_slice %arg7[%scan3A_18, %dma_start3A] : memref<80x128xi32, #tpu.memory_space<vmem>> -> memref<1x128xi32, #tpu.memory_space<vmem>>
      %dma_start3A_21 = tpu.memref_squeeze %dma_start3A_20 : memref<1x128xi32, #tpu.memory_space<vmem>> -> memref<128xi32, #tpu.memory_space<vmem>>
      %dma_start3A_22 = arith.constant 0 : i32
      %dma_start3A_23 = arith.constant 0 : i32
      %dma_start3A_24 = tpu.memref_slice %arg2[%dma_start3A_22, %dma_start3A_23] : memref<10240x128xf32, #tpu.memory_space<hbm>> -> memref<10240x128xf32, #tpu.memory_space<hbm>>
      tpu.enqueue_indirect_dma source(%dma_start3A_24 : memref<10240x128xf32, #tpu.memory_space<hbm>>) target(%arg9 : memref<128x128xf32, #tpu.memory_space<vmem>>) offsets(%dma_start3A_21 : memref<128xi32, #tpu.memory_space<vmem>>) semaphore(%arg11 : memref<!tpu.dma_semaphore, #tpu.memory_space<semaphore_mem>>)
      %dma_wait3A = arith.constant 0 : i32
      %dma_wait3A_25 = tpu.memref_slice %arg7[%scan3A_18, %dma_wait3A] : memref<80x128xi32, #tpu.memory_space<vmem>> -> memref<1x128xi32, #tpu.memory_space<vmem>>
      %dma_wait3A_26 = tpu.memref_squeeze %dma_wait3A_25 : memref<1x128xi32, #tpu.memory_space<vmem>> -> memref<128xi32, #tpu.memory_space<vmem>>
      %dma_wait3A_27 = arith.constant 0 : i32
      %dma_wait3A_28 = arith.constant 0 : i32
      %dma_wait3A_29 = tpu.memref_slice %arg2[%dma_wait3A_27, %dma_wait3A_28] : memref<10240x128xf32, #tpu.memory_space<hbm>> -> memref<10240x128xf32, #tpu.memory_space<hbm>>
      tpu.wait_indirect_dma semaphore(%arg11 : memref<!tpu.dma_semaphore, #tpu.memory_space<semaphore_mem>>) src(%dma_wait3A_29 : memref<10240x128xf32, #tpu.memory_space<hbm>>) dst(%arg9 : memref<128x128xf32, #tpu.memory_space<vmem>>)
      "tpu.region"() ({
        %run_scoped3A = tpu.sem_alloc : memref<!tpu.dma_semaphore, #tpu.memory_space<semaphore_mem>>
        %dma_start3A_31 = arith.constant 0 : i32
        %dma_start3A_32 = tpu.memref_slice %arg8[%scan3A_18, %dma_start3A_31] : memref<80x128xi32, #tpu.memory_space<vmem>> -> memref<1x128xi32, #tpu.memory_space<vmem>>
        %dma_start3A_33 = tpu.memref_squeeze %dma_start3A_32 : memref<1x128xi32, #tpu.memory_space<vmem>> -> memref<128xi32, #tpu.memory_space<vmem>>
        %dma_start3A_34 = arith.constant 0 : i32
        %dma_start3A_35 = arith.constant 0 : i32
        %dma_start3A_36 = tpu.memref_slice %arg10[%dma_start3A_34, %dma_start3A_35] : memref<10240x128xf32, #tpu.memory_space<vmem_shared>> -> memref<10240x128xf32, #tpu.memory_space<vmem_shared>>
        tpu.enqueue_indirect_dma source(%arg9 : memref<128x128xf32, #tpu.memory_space<vmem>>) target(%dma_start3A_36 : memref<10240x128xf32, #tpu.memory_space<vmem_shared>>) offsets(%dma_start3A_33 : memref<128xi32, #tpu.memory_space<vmem>>) semaphore(%run_scoped3A : memref<!tpu.dma_semaphore, #tpu.memory_space<semaphore_mem>>) {add = true}
        %dma_wait3A_37 = arith.constant 0 : i32
        %dma_wait3A_38 = tpu.memref_slice %arg8[%scan3A_18, %dma_wait3A_37] : memref<80x128xi32, #tpu.memory_space<vmem>> -> memref<1x128xi32, #tpu.memory_space<vmem>>
        %dma_wait3A_39 = tpu.memref_squeeze %dma_wait3A_38 : memref<1x128xi32, #tpu.memory_space<vmem>> -> memref<128xi32, #tpu.memory_space<vmem>>
        %dma_wait3A_40 = arith.constant 0 : i32
        %dma_wait3A_41 = arith.constant 0 : i32
        %dma_wait3A_42 = tpu.memref_slice %arg10[%dma_wait3A_40, %dma_wait3A_41] : memref<10240x128xf32, #tpu.memory_space<vmem_shared>> -> memref<10240x128xf32, #tpu.memory_space<vmem_shared>>
        tpu.wait_indirect_dma semaphore(%run_scoped3A : memref<!tpu.dma_semaphore, #tpu.memory_space<semaphore_mem>>) src(%arg9 : memref<128x128xf32, #tpu.memory_space<vmem>>) dst(%dma_wait3A_42 : memref<10240x128xf32, #tpu.memory_space<vmem_shared>>)
        tpu.yield
      }) : () -> ()
      %scan3A_30 = arith.constant 0 : i32
      scf.yield %scan3A_30 : i32
    }
    %scan3A_12 = arith.constant 80 : i32
    %barrier3A_13 = arith.constant 0 : index
    tpu.barrier barrier_id(%barrier3A_13)
    %mul3A_14 = arith.constant 640 : i32
    %mul3A_15 = arith.muli %arg1, %mul3A_14 : i32
    %mul3A_16 = arith.constant 640 : i32
    %mul3A_17 = arith.muli %arg1, %mul3A_16 : i32
    "tpu.region"() ({
      %run_scoped3A = tpu.sem_alloc : memref<!tpu.dma_semaphore, #tpu.memory_space<semaphore_mem>>
      %dma_start3A = arith.constant 0 : i32
      %dma_start3A_18 = tpu.memref_slice %arg6[%arg0, %mul3A_17, %dma_start3A] : memref<2x10240x128xf32, #tpu.memory_space<hbm>> -> memref<1x640x128xf32, #tpu.memory_space<hbm>>
      %dma_start3A_19 = tpu.memref_squeeze %dma_start3A_18 : memref<1x640x128xf32, #tpu.memory_space<hbm>> -> memref<640x128xf32, #tpu.memory_space<hbm>>
      %dma_start3A_20 = arith.constant 0 : i32
      %dma_start3A_21 = tpu.memref_slice %arg10[%mul3A_15, %dma_start3A_20] : memref<10240x128xf32, #tpu.memory_space<vmem_shared>> -> memref<640x128xf32, #tpu.memory_space<vmem_shared>>
      tpu.enqueue_dma source(%dma_start3A_21 : memref<640x128xf32, #tpu.memory_space<vmem_shared>>) target(%dma_start3A_19 : memref<640x128xf32, #tpu.memory_space<hbm>>) target_semaphore(%run_scoped3A : memref<!tpu.dma_semaphore, #tpu.memory_space<semaphore_mem>>)
      %dma_wait3A = arith.constant 0 : i32
      %dma_wait3A_22 = tpu.memref_slice %arg6[%arg0, %mul3A_17, %dma_wait3A] : memref<2x10240x128xf32, #tpu.memory_space<hbm>> -> memref<1x640x128xf32, #tpu.memory_space<hbm>>
      %dma_wait3A_23 = tpu.memref_squeeze %dma_wait3A_22 : memref<1x640x128xf32, #tpu.memory_space<hbm>> -> memref<640x128xf32, #tpu.memory_space<hbm>>
      %dma_wait3A_24 = arith.constant 0 : i32
      %dma_wait3A_25 = tpu.memref_slice %arg10[%mul3A_15, %dma_wait3A_24] : memref<10240x128xf32, #tpu.memory_space<vmem_shared>> -> memref<640x128xf32, #tpu.memory_space<vmem_shared>>
      tpu.wait_dma2 semaphore(%run_scoped3A : memref<!tpu.dma_semaphore, #tpu.memory_space<semaphore_mem>>) src(%dma_wait3A_25 : memref<640x128xf32, #tpu.memory_space<vmem_shared>>) dst(%dma_wait3A_23 : memref<640x128xf32, #tpu.memory_space<hbm>>)
      tpu.yield
    }) : () -> ()
    return
  }
}

#map = affine_map<(d0, d1) -> (0, 0)>
#map1 = affine_map<(d0, d1) -> (0, 0, 0)>
module attributes {stable_mosaic.version = 14 : i64} {
  func.func @_prop_kernel(%arg0: i32, %arg1: i32, %arg2: memref<10240x128xf32, #tpu.memory_space<hbm>>, %arg3: memref<2560x128xi32, #tpu.memory_space<hbm>>, %arg4: memref<2560x128xi32, #tpu.memory_space<hbm>>, %arg5: memref<640x128xf32, #tpu.memory_space<hbm>>, %arg6: memref<2x10240x128xf32, #tpu.memory_space<hbm>>, %arg7: memref<80x128xi32, #tpu.memory_space<vmem>>, %arg8: memref<80x128xi32, #tpu.memory_space<vmem>>, %arg9: memref<128x128xf32, #tpu.memory_space<vmem>>, %arg10: memref<10240x128xf32, #tpu.memory_space<vmem_shared>>, %arg11: memref<!tpu.dma_semaphore, #tpu.memory_space<semaphore_mem>>) attributes {dimension_semantics = [#tpu.dimension_semantics<core_parallel>, #tpu.dimension_semantics<subcore_parallel>], iteration_bounds = array<i64: 2, 16>, scalar_prefetch = 0 : i64, scratch_operands = 5 : i64, tpu.core_type = #tpu.core_type<sc_vector_subcore>, window_params = [{transform_indices = #map}, {transform_indices = #map}, {transform_indices = #map}, {transform_indices = #map}, {transform_indices = #map1}]} {
    %mul3A = arith.constant 16 : i32
    %mul3A_0 = arith.muli %arg0, %mul3A : i32
    %add3A = arith.addi %mul3A_0, %arg1 : i32
    %mul3A_1 = arith.constant 640 : i32
    %mul3A_2 = arith.muli %arg1, %mul3A_1 : i32
    "tpu.region"() ({
      %run_scoped3A = tpu.sem_alloc : memref<!tpu.dma_semaphore, #tpu.memory_space<semaphore_mem>>
      %dma_start3A = arith.constant 0 : i32
      %dma_start3A_18 = tpu.memref_slice %arg10[%mul3A_2, %dma_start3A] : memref<10240x128xf32, #tpu.memory_space<vmem_shared>> -> memref<640x128xf32, #tpu.memory_space<vmem_shared>>
      tpu.enqueue_dma source(%arg5 : memref<640x128xf32, #tpu.memory_space<hbm>>) target(%dma_start3A_18 : memref<640x128xf32, #tpu.memory_space<vmem_shared>>) target_semaphore(%run_scoped3A : memref<!tpu.dma_semaphore, #tpu.memory_space<semaphore_mem>>)
      %dma_wait3A = arith.constant 0 : i32
      %dma_wait3A_19 = tpu.memref_slice %arg10[%mul3A_2, %dma_wait3A] : memref<10240x128xf32, #tpu.memory_space<vmem_shared>> -> memref<640x128xf32, #tpu.memory_space<vmem_shared>>
      tpu.wait_dma2 semaphore(%run_scoped3A : memref<!tpu.dma_semaphore, #tpu.memory_space<semaphore_mem>>) src(%arg5 : memref<640x128xf32, #tpu.memory_space<hbm>>) dst(%dma_wait3A_19 : memref<640x128xf32, #tpu.memory_space<vmem_shared>>)
      tpu.yield
    }) : () -> ()
    %mul3A_3 = arith.constant 80 : i32
    %mul3A_4 = arith.muli %add3A, %mul3A_3 : i32
    "tpu.region"() ({
      %run_scoped3A = tpu.sem_alloc : memref<!tpu.dma_semaphore, #tpu.memory_space<semaphore_mem>>
      %dma_start3A = arith.constant 0 : i32
      %dma_start3A_18 = tpu.memref_slice %arg3[%mul3A_4, %dma_start3A] : memref<2560x128xi32, #tpu.memory_space<hbm>> -> memref<80x128xi32, #tpu.memory_space<hbm>>
      %dma_start3A_19 = arith.constant 0 : i32
      %dma_start3A_20 = tpu.memref_slice %arg3[%mul3A_4, %dma_start3A_19] : memref<2560x128xi32, #tpu.memory_space<hbm>> -> memref<80x128xi32, #tpu.memory_space<hbm>>
      tpu.enqueue_dma source(%dma_start3A_20 : memref<80x128xi32, #tpu.memory_space<hbm>>) target(%arg7 : memref<80x128xi32, #tpu.memory_space<vmem>>) target_semaphore(%run_scoped3A : memref<!tpu.dma_semaphore, #tpu.memory_space<semaphore_mem>>)
      %dma_wait3A = arith.constant 0 : i32
      %dma_wait3A_21 = tpu.memref_slice %arg3[%mul3A_4, %dma_wait3A] : memref<2560x128xi32, #tpu.memory_space<hbm>> -> memref<80x128xi32, #tpu.memory_space<hbm>>
      %dma_wait3A_22 = arith.constant 0 : i32
      %dma_wait3A_23 = tpu.memref_slice %arg3[%mul3A_4, %dma_wait3A_22] : memref<2560x128xi32, #tpu.memory_space<hbm>> -> memref<80x128xi32, #tpu.memory_space<hbm>>
      tpu.wait_dma2 semaphore(%run_scoped3A : memref<!tpu.dma_semaphore, #tpu.memory_space<semaphore_mem>>) src(%dma_wait3A_23 : memref<80x128xi32, #tpu.memory_space<hbm>>) dst(%arg7 : memref<80x128xi32, #tpu.memory_space<vmem>>)
      tpu.yield
    }) : () -> ()
    %mul3A_5 = arith.constant 80 : i32
    %mul3A_6 = arith.muli %add3A, %mul3A_5 : i32
    "tpu.region"() ({
      %run_scoped3A = tpu.sem_alloc : memref<!tpu.dma_semaphore, #tpu.memory_space<semaphore_mem>>
      %dma_start3A = arith.constant 0 : i32
      %dma_start3A_18 = tpu.memref_slice %arg4[%mul3A_6, %dma_start3A] : memref<2560x128xi32, #tpu.memory_space<hbm>> -> memref<80x128xi32, #tpu.memory_space<hbm>>
      %dma_start3A_19 = arith.constant 0 : i32
      %dma_start3A_20 = tpu.memref_slice %arg4[%mul3A_6, %dma_start3A_19] : memref<2560x128xi32, #tpu.memory_space<hbm>> -> memref<80x128xi32, #tpu.memory_space<hbm>>
      tpu.enqueue_dma source(%dma_start3A_20 : memref<80x128xi32, #tpu.memory_space<hbm>>) target(%arg8 : memref<80x128xi32, #tpu.memory_space<vmem>>) target_semaphore(%run_scoped3A : memref<!tpu.dma_semaphore, #tpu.memory_space<semaphore_mem>>)
      %dma_wait3A = arith.constant 0 : i32
      %dma_wait3A_21 = tpu.memref_slice %arg4[%mul3A_6, %dma_wait3A] : memref<2560x128xi32, #tpu.memory_space<hbm>> -> memref<80x128xi32, #tpu.memory_space<hbm>>
      %dma_wait3A_22 = arith.constant 0 : i32
      %dma_wait3A_23 = tpu.memref_slice %arg4[%mul3A_6, %dma_wait3A_22] : memref<2560x128xi32, #tpu.memory_space<hbm>> -> memref<80x128xi32, #tpu.memory_space<hbm>>
      tpu.wait_dma2 semaphore(%run_scoped3A : memref<!tpu.dma_semaphore, #tpu.memory_space<semaphore_mem>>) src(%dma_wait3A_23 : memref<80x128xi32, #tpu.memory_space<hbm>>) dst(%arg8 : memref<80x128xi32, #tpu.memory_space<vmem>>)
      tpu.yield
    }) : () -> ()
    %barrier3A = arith.constant 0 : index
    tpu.barrier barrier_id(%barrier3A)
    %scan3A = arith.constant 0 : i32
    %scan3A_7 = arith.constant 0 : i32
    %scan3A_8 = arith.constant 80 : i32
    %scan3A_9 = arith.addi %scan3A_7, %scan3A_8 : i32
    %scan3A_10 = arith.constant 1 : i32
    %scan3A_11 = scf.for %scan3A_18 = %scan3A_7 to %scan3A_9 step %scan3A_10 iter_args(%scan3A_19 = %scan3A) -> (i32)  : i32 {
      %dma_start3A = arith.constant 0 : i32
      %dma_start3A_20 = tpu.memref_slice %arg7[%scan3A_18, %dma_start3A] : memref<80x128xi32, #tpu.memory_space<vmem>> -> memref<1x128xi32, #tpu.memory_space<vmem>>
      %dma_start3A_21 = tpu.memref_squeeze %dma_start3A_20 : memref<1x128xi32, #tpu.memory_space<vmem>> -> memref<128xi32, #tpu.memory_space<vmem>>
      %dma_start3A_22 = arith.constant 0 : i32
      %dma_start3A_23 = arith.constant 0 : i32
      %dma_start3A_24 = tpu.memref_slice %arg2[%dma_start3A_22, %dma_start3A_23] : memref<10240x128xf32, #tpu.memory_space<hbm>> -> memref<10240x128xf32, #tpu.memory_space<hbm>>
      tpu.enqueue_indirect_dma source(%dma_start3A_24 : memref<10240x128xf32, #tpu.memory_space<hbm>>) target(%arg9 : memref<128x128xf32, #tpu.memory_space<vmem>>) offsets(%dma_start3A_21 : memref<128xi32, #tpu.memory_space<vmem>>) semaphore(%arg11 : memref<!tpu.dma_semaphore, #tpu.memory_space<semaphore_mem>>)
      %dma_wait3A = arith.constant 0 : i32
      %dma_wait3A_25 = tpu.memref_slice %arg7[%scan3A_18, %dma_wait3A] : memref<80x128xi32, #tpu.memory_space<vmem>> -> memref<1x128xi32, #tpu.memory_space<vmem>>
      %dma_wait3A_26 = tpu.memref_squeeze %dma_wait3A_25 : memref<1x128xi32, #tpu.memory_space<vmem>> -> memref<128xi32, #tpu.memory_space<vmem>>
      %dma_wait3A_27 = arith.constant 0 : i32
      %dma_wait3A_28 = arith.constant 0 : i32
      %dma_wait3A_29 = tpu.memref_slice %arg2[%dma_wait3A_27, %dma_wait3A_28] : memref<10240x128xf32, #tpu.memory_space<hbm>> -> memref<10240x128xf32, #tpu.memory_space<hbm>>
      tpu.wait_indirect_dma semaphore(%arg11 : memref<!tpu.dma_semaphore, #tpu.memory_space<semaphore_mem>>) src(%dma_wait3A_29 : memref<10240x128xf32, #tpu.memory_space<hbm>>) dst(%arg9 : memref<128x128xf32, #tpu.memory_space<vmem>>)
      "tpu.region"() ({
        %run_scoped3A = tpu.sem_alloc : memref<!tpu.dma_semaphore, #tpu.memory_space<semaphore_mem>>
        %dma_start3A_31 = arith.constant 0 : i32
        %dma_start3A_32 = tpu.memref_slice %arg8[%scan3A_18, %dma_start3A_31] : memref<80x128xi32, #tpu.memory_space<vmem>> -> memref<1x128xi32, #tpu.memory_space<vmem>>
        %dma_start3A_33 = tpu.memref_squeeze %dma_start3A_32 : memref<1x128xi32, #tpu.memory_space<vmem>> -> memref<128xi32, #tpu.memory_space<vmem>>
        %dma_start3A_34 = arith.constant 0 : i32
        %dma_start3A_35 = arith.constant 0 : i32
        %dma_start3A_36 = tpu.memref_slice %arg10[%dma_start3A_34, %dma_start3A_35] : memref<10240x128xf32, #tpu.memory_space<vmem_shared>> -> memref<10240x128xf32, #tpu.memory_space<vmem_shared>>
        tpu.enqueue_indirect_dma source(%arg9 : memref<128x128xf32, #tpu.memory_space<vmem>>) target(%dma_start3A_36 : memref<10240x128xf32, #tpu.memory_space<vmem_shared>>) offsets(%dma_start3A_33 : memref<128xi32, #tpu.memory_space<vmem>>) semaphore(%run_scoped3A : memref<!tpu.dma_semaphore, #tpu.memory_space<semaphore_mem>>) {add = true}
        %dma_wait3A_37 = arith.constant 0 : i32
        %dma_wait3A_38 = tpu.memref_slice %arg8[%scan3A_18, %dma_wait3A_37] : memref<80x128xi32, #tpu.memory_space<vmem>> -> memref<1x128xi32, #tpu.memory_space<vmem>>
        %dma_wait3A_39 = tpu.memref_squeeze %dma_wait3A_38 : memref<1x128xi32, #tpu.memory_space<vmem>> -> memref<128xi32, #tpu.memory_space<vmem>>
        %dma_wait3A_40 = arith.constant 0 : i32
        %dma_wait3A_41 = arith.constant 0 : i32
        %dma_wait3A_42 = tpu.memref_slice %arg10[%dma_wait3A_40, %dma_wait3A_41] : memref<10240x128xf32, #tpu.memory_space<vmem_shared>> -> memref<10240x128xf32, #tpu.memory_space<vmem_shared>>
        tpu.wait_indirect_dma semaphore(%run_scoped3A : memref<!tpu.dma_semaphore, #tpu.memory_space<semaphore_mem>>) src(%arg9 : memref<128x128xf32, #tpu.memory_space<vmem>>) dst(%dma_wait3A_42 : memref<10240x128xf32, #tpu.memory_space<vmem_shared>>)
        tpu.yield
      }) : () -> ()
      %scan3A_30 = arith.constant 0 : i32
      scf.yield %scan3A_30 : i32
    }
    %scan3A_12 = arith.constant 80 : i32
    %barrier3A_13 = arith.constant 0 : index
    tpu.barrier barrier_id(%barrier3A_13)
    %mul3A_14 = arith.constant 640 : i32
    %mul3A_15 = arith.muli %arg1, %mul3A_14 : i32
    %mul3A_16 = arith.constant 640 : i32
    %mul3A_17 = arith.muli %arg1, %mul3A_16 : i32
    "tpu.region"() ({
      %run_scoped3A = tpu.sem_alloc : memref<!tpu.dma_semaphore, #tpu.memory_space<semaphore_mem>>
      %dma_start3A = arith.constant 0 : i32
      %dma_start3A_18 = tpu.memref_slice %arg6[%arg0, %mul3A_17, %dma_start3A] : memref<2x10240x128xf32, #tpu.memory_space<hbm>> -> memref<1x640x128xf32, #tpu.memory_space<hbm>>
      %dma_start3A_19 = tpu.memref_squeeze %dma_start3A_18 : memref<1x640x128xf32, #tpu.memory_space<hbm>> -> memref<640x128xf32, #tpu.memory_space<hbm>>
      %dma_start3A_20 = arith.constant 0 : i32
      %dma_start3A_21 = tpu.memref_slice %arg10[%mul3A_15, %dma_start3A_20] : memref<10240x128xf32, #tpu.memory_space<vmem_shared>> -> memref<640x128xf32, #tpu.memory_space<vmem_shared>>
      tpu.enqueue_dma source(%dma_start3A_21 : memref<640x128xf32, #tpu.memory_space<vmem_shared>>) target(%dma_start3A_19 : memref<640x128xf32, #tpu.memory_space<hbm>>) target_semaphore(%run_scoped3A : memref<!tpu.dma_semaphore, #tpu.memory_space<semaphore_mem>>)
      %dma_wait3A = arith.constant 0 : i32
      %dma_wait3A_22 = tpu.memref_slice %arg6[%arg0, %mul3A_17, %dma_wait3A] : memref<2x10240x128xf32, #tpu.memory_space<hbm>> -> memref<1x640x128xf32, #tpu.memory_space<hbm>>
      %dma_wait3A_23 = tpu.memref_squeeze %dma_wait3A_22 : memref<1x640x128xf32, #tpu.memory_space<hbm>> -> memref<640x128xf32, #tpu.memory_space<hbm>>
      %dma_wait3A_24 = arith.constant 0 : i32
      %dma_wait3A_25 = tpu.memref_slice %arg10[%mul3A_15, %dma_wait3A_24] : memref<10240x128xf32, #tpu.memory_space<vmem_shared>> -> memref<640x128xf32, #tpu.memory_space<vmem_shared>>
      tpu.wait_dma2 semaphore(%run_scoped3A : memref<!tpu.dma_semaphore, #tpu.memory_space<semaphore_mem>>) src(%dma_wait3A_25 : memref<640x128xf32, #tpu.memory_space<vmem_shared>>) dst(%dma_wait3A_23 : memref<640x128xf32, #tpu.memory_space<hbm>>)
      tpu.yield
    }) : () -> ()
    return
  }
}

#map = affine_map<(d0, d1) -> (0)>
module attributes {stable_mosaic.version = 14 : i64} {
  func.func @_deg_kernel(%arg0: i32, %arg1: i32, %arg2: memref<320000xi32, #tpu.memory_space<hbm>>, %arg3: memref<20480xf32, #tpu.memory_space<hbm>>, %arg4: memref<10000xi32, #tpu.memory_space<vmem>>, %arg5: memref<10240xf32, #tpu.memory_space<vmem>>, %arg6: memref<640xf32, #tpu.memory_space<vmem>>, %arg7: memref<640xf32, #tpu.memory_space<vmem>>, %arg8: memref<16x10240xf32, #tpu.memory_space<vmem_shared>>) attributes {dimension_semantics = [#tpu.dimension_semantics<core_parallel>, #tpu.dimension_semantics<subcore_parallel>], iteration_bounds = array<i64: 2, 16>, scalar_prefetch = 0 : i64, scratch_operands = 5 : i64, tpu.core_type = #tpu.core_type<sc_vector_subcore>, window_params = [{transform_indices = #map}, {transform_indices = #map}]} {
    %mul3A = arith.constant 16 : i32
    %mul3A_0 = arith.muli %arg0, %mul3A : i32
    %add3A = arith.addi %mul3A_0, %arg1 : i32
    %scan3A = arith.constant 0 : i32
    %scan3A_1 = arith.constant 0 : i32
    %scan3A_2 = arith.constant 640 : i32
    %scan3A_3 = arith.addi %scan3A_1, %scan3A_2 : i32
    %scan3A_4 = arith.constant 1 : i32
    %scan3A_5 = scf.for %scan3A_36 = %scan3A_1 to %scan3A_3 step %scan3A_4 iter_args(%scan3A_37 = %scan3A) -> (i32)  : i32 {
      %broadcast_in_dim3A_38 = arith.constant 0.000000e+00 : f32
      %broadcast_in_dim3A_39 = vector.broadcast %broadcast_in_dim3A_38 : f32 to vector<16xf32>
      %mul3A_40 = arith.constant 16 : i32
      %mul3A_41 = arith.muli %scan3A_36, %mul3A_40 : i32
      %swap3A = arith.index_cast %mul3A_41 : i32 to index
      %swap3A_42 = tpu.vector_load %arg5[%swap3A] {strides = array<i32>} : memref<10240xf32, #tpu.memory_space<vmem>>, vector<16xf32>,
      tpu.vector_store %arg5[%swap3A], %broadcast_in_dim3A_39 {strides = array<i32>} : memref<10240xf32, #tpu.memory_space<vmem>>, vector<16xf32>,
      %scan3A_43 = arith.constant 0 : i32
      scf.yield %scan3A_43 : i32
    }
    %scan3A_6 = arith.constant 640 : i32
    %mul3A_7 = arith.constant 10000 : i32
    %mul3A_8 = arith.muli %add3A, %mul3A_7 : i32
    "tpu.region"() ({
      %run_scoped3A = tpu.sem_alloc : memref<!tpu.dma_semaphore, #tpu.memory_space<semaphore_mem>>
      %dma_start3A = tpu.memref_slice %arg2[%mul3A_8] : memref<320000xi32, #tpu.memory_space<hbm>> -> memref<10000xi32, #tpu.memory_space<hbm>>
      %dma_start3A_36 = tpu.memref_slice %arg2[%mul3A_8] : memref<320000xi32, #tpu.memory_space<hbm>> -> memref<10000xi32, #tpu.memory_space<hbm>>
      tpu.enqueue_dma source(%dma_start3A_36 : memref<10000xi32, #tpu.memory_space<hbm>>) target(%arg4 : memref<10000xi32, #tpu.memory_space<vmem>>) target_semaphore(%run_scoped3A : memref<!tpu.dma_semaphore, #tpu.memory_space<semaphore_mem>>)
      %dma_wait3A = tpu.memref_slice %arg2[%mul3A_8] : memref<320000xi32, #tpu.memory_space<hbm>> -> memref<10000xi32, #tpu.memory_space<hbm>>
      %dma_wait3A_37 = tpu.memref_slice %arg2[%mul3A_8] : memref<320000xi32, #tpu.memory_space<hbm>> -> memref<10000xi32, #tpu.memory_space<hbm>>
      tpu.wait_dma2 semaphore(%run_scoped3A : memref<!tpu.dma_semaphore, #tpu.memory_space<semaphore_mem>>) src(%dma_wait3A_37 : memref<10000xi32, #tpu.memory_space<hbm>>) dst(%arg4 : memref<10000xi32, #tpu.memory_space<vmem>>)
      tpu.yield
    }) : () -> ()
    %broadcast_in_dim3A = arith.constant 1.000000e+00 : f32
    %broadcast_in_dim3A_9 = vector.broadcast %broadcast_in_dim3A : f32 to vector<16xf32>
    %scan3A_10 = arith.constant 0 : i32
    %scan3A_11 = arith.constant 0 : i32
    %scan3A_12 = arith.constant 625 : i32
    %scan3A_13 = arith.addi %scan3A_11, %scan3A_12 : i32
    %scan3A_14 = arith.constant 1 : i32
    %scan3A_15 = scf.for %scan3A_36 = %scan3A_11 to %scan3A_13 step %scan3A_14 iter_args(%scan3A_37 = %scan3A_10) -> (i32)  : i32 {
      %mul3A_38 = arith.constant 16 : i32
      %mul3A_39 = arith.muli %scan3A_36, %mul3A_38 : i32
      %get3A = arith.index_cast %mul3A_39 : i32 to index
      %get3A_40 = tpu.vector_load %arg4[%get3A] {strides = array<i32>} : memref<10000xi32, #tpu.memory_space<vmem>>, vector<16xi32>,
      tpu.vector_store_idx %arg5[%get3A_40], %broadcast_in_dim3A_9 {add = true} : memref<10240xf32, #tpu.memory_space<vmem>>[vector<16xi32>], vector<16xf32>,
      %scan3A_41 = arith.constant 0 : i32
      scf.yield %scan3A_41 : i32
    }
    %scan3A_16 = arith.constant 625 : i32
    "tpu.region"() ({
      %run_scoped3A = tpu.sem_alloc : memref<!tpu.dma_semaphore, #tpu.memory_space<semaphore_mem>>
      %dma_start3A = arith.constant 0 : i32
      %dma_start3A_36 = tpu.memref_slice %arg8[%arg1, %dma_start3A] : memref<16x10240xf32, #tpu.memory_space<vmem_shared>> -> memref<1x10240xf32, #tpu.memory_space<vmem_shared>>
      %dma_start3A_37 = tpu.memref_squeeze %dma_start3A_36 : memref<1x10240xf32, #tpu.memory_space<vmem_shared>> -> memref<10240xf32, #tpu.memory_space<vmem_shared>>
      %dma_start3A_38 = arith.constant 0 : i32
      %dma_start3A_39 = tpu.memref_slice %arg8[%arg1, %dma_start3A_38] : memref<16x10240xf32, #tpu.memory_space<vmem_shared>> -> memref<1x10240xf32, #tpu.memory_space<vmem_shared>>
      %dma_start3A_40 = tpu.memref_squeeze %dma_start3A_39 : memref<1x10240xf32, #tpu.memory_space<vmem_shared>> -> memref<10240xf32, #tpu.memory_space<vmem_shared>>
      tpu.enqueue_dma source(%arg5 : memref<10240xf32, #tpu.memory_space<vmem>>) target(%dma_start3A_40 : memref<10240xf32, #tpu.memory_space<vmem_shared>>) target_semaphore(%run_scoped3A : memref<!tpu.dma_semaphore, #tpu.memory_space<semaphore_mem>>)
      %dma_wait3A = arith.constant 0 : i32
      %dma_wait3A_41 = tpu.memref_slice %arg8[%arg1, %dma_wait3A] : memref<16x10240xf32, #tpu.memory_space<vmem_shared>> -> memref<1x10240xf32, #tpu.memory_space<vmem_shared>>
      %dma_wait3A_42 = tpu.memref_squeeze %dma_wait3A_41 : memref<1x10240xf32, #tpu.memory_space<vmem_shared>> -> memref<10240xf32, #tpu.memory_space<vmem_shared>>
      %dma_wait3A_43 = arith.constant 0 : i32
      %dma_wait3A_44 = tpu.memref_slice %arg8[%arg1, %dma_wait3A_43] : memref<16x10240xf32, #tpu.memory_space<vmem_shared>> -> memref<1x10240xf32, #tpu.memory_space<vmem_shared>>
      %dma_wait3A_45 = tpu.memref_squeeze %dma_wait3A_44 : memref<1x10240xf32, #tpu.memory_space<vmem_shared>> -> memref<10240xf32, #tpu.memory_space<vmem_shared>>
      tpu.wait_dma2 semaphore(%run_scoped3A : memref<!tpu.dma_semaphore, #tpu.memory_space<semaphore_mem>>) src(%arg5 : memref<10240xf32, #tpu.memory_space<vmem>>) dst(%dma_wait3A_45 : memref<10240xf32, #tpu.memory_space<vmem_shared>>)
      tpu.yield
    }) : () -> ()
    %barrier3A = arith.constant 0 : index
    tpu.barrier barrier_id(%barrier3A)
    %scan3A_17 = arith.constant 0 : i32
    %scan3A_18 = arith.constant 0 : i32
    %scan3A_19 = arith.constant 40 : i32
    %scan3A_20 = arith.addi %scan3A_18, %scan3A_19 : i32
    %scan3A_21 = arith.constant 1 : i32
    %scan3A_22 = scf.for %scan3A_36 = %scan3A_18 to %scan3A_20 step %scan3A_21 iter_args(%scan3A_37 = %scan3A_17) -> (i32)  : i32 {
      %broadcast_in_dim3A_38 = arith.constant 0.000000e+00 : f32
      %broadcast_in_dim3A_39 = vector.broadcast %broadcast_in_dim3A_38 : f32 to vector<16xf32>
      %mul3A_40 = arith.constant 16 : i32
      %mul3A_41 = arith.muli %scan3A_36, %mul3A_40 : i32
      %swap3A = arith.index_cast %mul3A_41 : i32 to index
      %swap3A_42 = tpu.vector_load %arg7[%swap3A] {strides = array<i32>} : memref<640xf32, #tpu.memory_space<vmem>>, vector<16xf32>,
      tpu.vector_store %arg7[%swap3A], %broadcast_in_dim3A_39 {strides = array<i32>} : memref<640xf32, #tpu.memory_space<vmem>>, vector<16xf32>,
      %scan3A_43 = arith.constant 0 : i32
      scf.yield %scan3A_43 : i32
    }
    %scan3A_23 = arith.constant 40 : i32
    %scan3A_24 = arith.constant 0 : i32
    %scan3A_25 = arith.constant 0 : i32
    %scan3A_26 = arith.constant 16 : i32
    %scan3A_27 = arith.addi %scan3A_25, %scan3A_26 : i32
    %scan3A_28 = arith.constant 1 : i32
    %scan3A_29 = scf.for %scan3A_36 = %scan3A_25 to %scan3A_27 step %scan3A_28 iter_args(%scan3A_37 = %scan3A_24) -> (i32)  : i32 {
      %mul3A_38 = arith.constant 640 : i32
      %mul3A_39 = arith.muli %arg1, %mul3A_38 : i32
      "tpu.region"() ({
        %run_scoped3A = tpu.sem_alloc : memref<!tpu.dma_semaphore, #tpu.memory_space<semaphore_mem>>
        %dma_start3A = tpu.memref_slice %arg8[%scan3A_36, %mul3A_39] : memref<16x10240xf32, #tpu.memory_space<vmem_shared>> -> memref<1x640xf32, #tpu.memory_space<vmem_shared>>
        %dma_start3A_48 = tpu.memref_squeeze %dma_start3A : memref<1x640xf32, #tpu.memory_space<vmem_shared>> -> memref<640xf32, #tpu.memory_space<vmem_shared>>
        %dma_start3A_49 = tpu.memref_slice %arg8[%scan3A_36, %mul3A_39] : memref<16x10240xf32, #tpu.memory_space<vmem_shared>> -> memref<1x640xf32, #tpu.memory_space<vmem_shared>>
        %dma_start3A_50 = tpu.memref_squeeze %dma_start3A_49 : memref<1x640xf32, #tpu.memory_space<vmem_shared>> -> memref<640xf32, #tpu.memory_space<vmem_shared>>
        tpu.enqueue_dma source(%dma_start3A_50 : memref<640xf32, #tpu.memory_space<vmem_shared>>) target(%arg6 : memref<640xf32, #tpu.memory_space<vmem>>) target_semaphore(%run_scoped3A : memref<!tpu.dma_semaphore, #tpu.memory_space<semaphore_mem>>)
        %dma_wait3A = tpu.memref_slice %arg8[%scan3A_36, %mul3A_39] : memref<16x10240xf32, #tpu.memory_space<vmem_shared>> -> memref<1x640xf32, #tpu.memory_space<vmem_shared>>
        %dma_wait3A_51 = tpu.memref_squeeze %dma_wait3A : memref<1x640xf32, #tpu.memory_space<vmem_shared>> -> memref<640xf32, #tpu.memory_space<vmem_shared>>
        %dma_wait3A_52 = tpu.memref_slice %arg8[%scan3A_36, %mul3A_39] : memref<16x10240xf32, #tpu.memory_space<vmem_shared>> -> memref<1x640xf32, #tpu.memory_space<vmem_shared>>
        %dma_wait3A_53 = tpu.memref_squeeze %dma_wait3A_52 : memref<1x640xf32, #tpu.memory_space<vmem_shared>> -> memref<640xf32, #tpu.memory_space<vmem_shared>>
        tpu.wait_dma2 semaphore(%run_scoped3A : memref<!tpu.dma_semaphore, #tpu.memory_space<semaphore_mem>>) src(%dma_wait3A_53 : memref<640xf32, #tpu.memory_space<vmem_shared>>) dst(%arg6 : memref<640xf32, #tpu.memory_space<vmem>>)
        tpu.yield
      }) : () -> ()
      %scan3A_40 = arith.constant 0 : i32
      %scan3A_41 = arith.constant 0 : i32
      %scan3A_42 = arith.constant 40 : i32
      %scan3A_43 = arith.addi %scan3A_41, %scan3A_42 : i32
      %scan3A_44 = arith.constant 1 : i32
      %scan3A_45 = scf.for %scan3A_48 = %scan3A_41 to %scan3A_43 step %scan3A_44 iter_args(%scan3A_49 = %scan3A_40) -> (i32)  : i32 {
        %mul3A_50 = arith.constant 16 : i32
        %mul3A_51 = arith.muli %scan3A_48, %mul3A_50 : i32
        %get3A = arith.index_cast %mul3A_51 : i32 to index
        %get3A_52 = tpu.vector_load %arg7[%get3A] {strides = array<i32>} : memref<640xf32, #tpu.memory_space<vmem>>, vector<16xf32>,
        %get3A_53 = arith.index_cast %mul3A_51 : i32 to index
        %get3A_54 = tpu.vector_load %arg6[%get3A_53] {strides = array<i32>} : memref<640xf32, #tpu.memory_space<vmem>>, vector<16xf32>,
        %add3A_55 = arith.addf %get3A_52, %get3A_54 : vector<16xf32>
        %swap3A = arith.index_cast %mul3A_51 : i32 to index
        %swap3A_56 = tpu.vector_load %arg7[%swap3A] {strides = array<i32>} : memref<640xf32, #tpu.memory_space<vmem>>, vector<16xf32>,
        tpu.vector_store %arg7[%swap3A], %add3A_55 {strides = array<i32>} : memref<640xf32, #tpu.memory_space<vmem>>, vector<16xf32>,
        %scan3A_57 = arith.constant 0 : i32
        scf.yield %scan3A_57 : i32
      }
      %scan3A_46 = arith.constant 40 : i32
      %scan3A_47 = arith.constant 0 : i32
      scf.yield %scan3A_47 : i32
    }
    %scan3A_30 = arith.constant 16 : i32
    %mul3A_31 = arith.constant 10240 : i32
    %mul3A_32 = arith.muli %arg0, %mul3A_31 : i32
    %mul3A_33 = arith.constant 640 : i32
    %mul3A_34 = arith.muli %arg1, %mul3A_33 : i32
    %add3A_35 = arith.addi %mul3A_32, %mul3A_34 : i32
    "tpu.region"() ({
      %run_scoped3A = tpu.sem_alloc : memref<!tpu.dma_semaphore, #tpu.memory_space<semaphore_mem>>
      %dma_start3A = tpu.memref_slice %arg3[%add3A_35] : memref<20480xf32, #tpu.memory_space<hbm>> -> memref<640xf32, #tpu.memory_space<hbm>>
      %dma_start3A_36 = tpu.memref_slice %arg3[%add3A_35] : memref<20480xf32, #tpu.memory_space<hbm>> -> memref<640xf32, #tpu.memory_space<hbm>>
      tpu.enqueue_dma source(%arg7 : memref<640xf32, #tpu.memory_space<vmem>>) target(%dma_start3A_36 : memref<640xf32, #tpu.memory_space<hbm>>) target_semaphore(%run_scoped3A : memref<!tpu.dma_semaphore, #tpu.memory_space<semaphore_mem>>)
      %dma_wait3A = tpu.memref_slice %arg3[%add3A_35] : memref<20480xf32, #tpu.memory_space<hbm>> -> memref<640xf32, #tpu.memory_space<hbm>>
      %dma_wait3A_37 = tpu.memref_slice %arg3[%add3A_35] : memref<20480xf32, #tpu.memory_space<hbm>> -> memref<640xf32, #tpu.memory_space<hbm>>
      tpu.wait_dma2 semaphore(%run_scoped3A : memref<!tpu.dma_semaphore, #tpu.memory_space<semaphore_mem>>) src(%arg7 : memref<640xf32, #tpu.memory_space<vmem>>) dst(%dma_wait3A_37 : memref<640xf32, #tpu.memory_space<hbm>>)
      tpu.yield
    }) : () -> ()
    return
  }
}

module attributes {stable_mosaic.version = 14 : i64} {
  func.func @_lin1_body(%arg0: i32, %arg1: memref<2x1024x1xf32, #tpu.memory_space<vmem>>, %arg2: memref<1024x128xf32, #tpu.memory_space<vmem>>, %arg3: memref<128x128xf32, #tpu.memory_space<vmem>>, %arg4: memref<1x128xf32, #tpu.memory_space<vmem>>, %arg5: memref<1024x128xf32, #tpu.memory_space<vmem>>, %arg6: memref<1024x1xf32, #tpu.memory_space<vmem>>) attributes {dimension_semantics = [#tpu.dimension_semantics<arbitrary>], iteration_bounds = array<i64: 10>, scalar_prefetch = 0 : i64, scratch_operands = 0 : i64, tpu.core_type = #tpu.core_type<tc>, window_params = [{transform_indices = @transform_0, window_bounds = array<i64: 2, 1024, 1>}, {transform_indices = @transform_1, window_bounds = array<i64: 1024, 128>}, {pipeline_mode = #tpu.pipeline_mode<synchronous>, transform_indices = @transform_2, window_bounds = array<i64: 128, 128>}, {pipeline_mode = #tpu.pipeline_mode<synchronous>, transform_indices = @transform_3, window_bounds = array<i64: 1, 128>}, {transform_indices = @transform_4, window_bounds = array<i64: 1024, 128>}, {transform_indices = @transform_5, window_bounds = array<i64: 1024, 1>}]} {
    %get3A = arith.constant 0 : index
    %get3A_0 = arith.constant 0 : index
    %get3A_1 = arith.constant 0 : index
    %get3A_2 = vector.load %arg1[%get3A, %get3A_0, %get3A_1] : memref<2x1024x1xf32, #tpu.memory_space<vmem>>, vector<1x1024x1xf32>
    %get3A_3 = vector.shape_cast %get3A_2 : vector<1x1024x1xf32> to vector<1024x1xf32>
    %get3A_4 = arith.constant 1 : index
    %get3A_5 = arith.constant 0 : index
    %get3A_6 = arith.constant 0 : index
    %get3A_7 = vector.load %arg1[%get3A_4, %get3A_5, %get3A_6] : memref<2x1024x1xf32, #tpu.memory_space<vmem>>, vector<1x1024x1xf32>
    %get3A_8 = vector.shape_cast %get3A_7 : vector<1x1024x1xf32> to vector<1024x1xf32>
    %add3A = arith.addf %get3A_3, %get3A_8 : vector<1024x1xf32>
    %add3A_9 = arith.constant 1.000000e+00 : f32
    %add3A_10 = vector.broadcast %add3A_9 : f32 to vector<1024x1xf32>
    %add3A_11 = arith.addf %add3A, %add3A_10 : vector<1024x1xf32>
    %rsqrt3A = math.rsqrt %add3A_11 : vector<1024x1xf32>
    %get3A_12 = arith.constant 0 : index
    %get3A_13 = arith.constant 0 : index
    %get3A_14 = vector.load %arg2[%get3A_12, %get3A_13] : memref<1024x128xf32, #tpu.memory_space<vmem>>, vector<1024x128xf32>
    %get3A_15 = arith.constant 0 : index
    %get3A_16 = arith.constant 0 : index
    %get3A_17 = vector.load %arg3[%get3A_15, %get3A_16] : memref<128x128xf32, #tpu.memory_space<vmem>>, vector<128x128xf32>
    %dot_general3A = arith.constant dense<0.000000e+00> : vector<1024x128xf32>
    %dot_general3A_18 = tpu.matmul %get3A_14, %get3A_17, %dot_general3A {dimension_numbers = #tpu.dot_dimension_numbers<[1], [1], [0], [0], [0, 0, 1, 0], [], []>, transpose_lhs_hint = false} : vector<1024x128xf32>, vector<128x128xf32>, vector<1024x128xf32> -> vector<1024x128xf32>
    %get3A_19 = arith.constant 0 : index
    %get3A_20 = arith.constant 0 : index
    %get3A_21 = vector.load %arg4[%get3A_19, %get3A_20] : memref<1x128xf32, #tpu.memory_space<vmem>>, vector<1x128xf32>
    %add3A_22 = vector.broadcast %get3A_21 : vector<1x128xf32> to vector<1024x128xf32>
    %add3A_23 = arith.addf %dot_general3A_18, %add3A_22 : vector<1024x128xf32>
    %mul3A = vector.broadcast %rsqrt3A : vector<1024x1xf32> to vector<1024x128xf32>
    %mul3A_24 = arith.mulf %add3A_23, %mul3A : vector<1024x128xf32>
    %swap3A = arith.constant 0 : index
    %swap3A_25 = arith.constant 0 : index
    %swap3A_26 = vector.load %arg5[%swap3A, %swap3A_25] : memref<1024x128xf32, #tpu.memory_space<vmem>>, vector<1024x128xf32>
    tpu.vector_store %arg5[%swap3A, %swap3A_25], %mul3A_24 {strides = array<i32>} : memref<1024x128xf32, #tpu.memory_space<vmem>>, vector<1024x128xf32>,
    %swap3A_27 = arith.constant 0 : index
    %swap3A_28 = arith.constant 0 : index
    %swap3A_29 = vector.load %arg6[%swap3A_27, %swap3A_28] : memref<1024x1xf32, #tpu.memory_space<vmem>>, vector<1024x1xf32>
    tpu.vector_store %arg6[%swap3A_27, %swap3A_28], %rsqrt3A {strides = array<i32>} : memref<1024x1xf32, #tpu.memory_space<vmem>>, vector<1024x1xf32>,
    return
  }
  func.func @transform_0(%arg0: i32) -> (i32, i32, i32) {
    %c0_i32 = arith.constant 0 : i32
    %c0_i32_0 = arith.constant 0 : i32
    %c0_i32_1 = arith.constant 0 : i32
    return %c0_i32, %arg0, %c0_i32_0 : i32, i32, i32
  }
  func.func @transform_1(%arg0: i32) -> (i32, i32) {
    %c0_i32 = arith.constant 0 : i32
    %c0_i32_0 = arith.constant 0 : i32
    return %arg0, %c0_i32 : i32, i32
  }
  func.func @transform_2(%arg0: i32) -> (i32, i32) {
    %c0_i32 = arith.constant 0 : i32
    %c0_i32_0 = arith.constant 0 : i32
    %c0_i32_1 = arith.constant 0 : i32
    return %c0_i32, %c0_i32_0 : i32, i32
  }
  func.func @transform_3(%arg0: i32) -> (i32, i32) {
    %c0_i32 = arith.constant 0 : i32
    %c0_i32_0 = arith.constant 0 : i32
    %c0_i32_1 = arith.constant 0 : i32
    return %c0_i32, %c0_i32_0 : i32, i32
  }
  func.func @transform_4(%arg0: i32) -> (i32, i32) {
    %c0_i32 = arith.constant 0 : i32
    %c0_i32_0 = arith.constant 0 : i32
    return %arg0, %c0_i32 : i32, i32
  }
  func.func @transform_5(%arg0: i32) -> (i32, i32) {
    %c0_i32 = arith.constant 0 : i32
    %c0_i32_0 = arith.constant 0 : i32
    return %arg0, %c0_i32 : i32, i32
  }
}

module attributes {stable_mosaic.version = 14 : i64} {
  func.func @_lin2_body(%arg0: i32, %arg1: memref<2x1024x128xf32, #tpu.memory_space<vmem>>, %arg2: memref<1024x128xf32, #tpu.memory_space<vmem>>, %arg3: memref<1024x1xf32, #tpu.memory_space<vmem>>, %arg4: memref<128x128xf32, #tpu.memory_space<vmem>>, %arg5: memref<1x128xf32, #tpu.memory_space<vmem>>, %arg6: memref<1024x128xf32, #tpu.memory_space<vmem>>) attributes {dimension_semantics = [#tpu.dimension_semantics<arbitrary>], iteration_bounds = array<i64: 10>, scalar_prefetch = 0 : i64, scratch_operands = 0 : i64, tpu.core_type = #tpu.core_type<tc>, window_params = [{transform_indices = @transform_0, window_bounds = array<i64: 2, 1024, 128>}, {transform_indices = @transform_1, window_bounds = array<i64: 1024, 128>}, {transform_indices = @transform_2, window_bounds = array<i64: 1024, 1>}, {pipeline_mode = #tpu.pipeline_mode<synchronous>, transform_indices = @transform_3, window_bounds = array<i64: 128, 128>}, {pipeline_mode = #tpu.pipeline_mode<synchronous>, transform_indices = @transform_4, window_bounds = array<i64: 1, 128>}, {transform_indices = @transform_5, window_bounds = array<i64: 1024, 128>}]} {
    %get3A = arith.constant 0 : index
    %get3A_0 = arith.constant 0 : index
    %get3A_1 = vector.load %arg3[%get3A, %get3A_0] : memref<1024x1xf32, #tpu.memory_space<vmem>>, vector<1024x1xf32>
    %get3A_2 = arith.constant 0 : index
    %get3A_3 = arith.constant 0 : index
    %get3A_4 = arith.constant 0 : index
    %get3A_5 = vector.load %arg1[%get3A_2, %get3A_3, %get3A_4] : memref<2x1024x128xf32, #tpu.memory_space<vmem>>, vector<1x1024x128xf32>
    %get3A_6 = vector.shape_cast %get3A_5 : vector<1x1024x128xf32> to vector<1024x128xf32>
    %get3A_7 = arith.constant 1 : index
    %get3A_8 = arith.constant 0 : index
    %get3A_9 = arith.constant 0 : index
    %get3A_10 = vector.load %arg1[%get3A_7, %get3A_8, %get3A_9] : memref<2x1024x128xf32, #tpu.memory_space<vmem>>, vector<1x1024x128xf32>
    %get3A_11 = vector.shape_cast %get3A_10 : vector<1x1024x128xf32> to vector<1024x128xf32>
    %add3A = arith.addf %get3A_6, %get3A_11 : vector<1024x128xf32>
    %get3A_12 = arith.constant 0 : index
    %get3A_13 = arith.constant 0 : index
    %get3A_14 = vector.load %arg2[%get3A_12, %get3A_13] : memref<1024x128xf32, #tpu.memory_space<vmem>>, vector<1024x128xf32>
    %add3A_15 = arith.addf %add3A, %get3A_14 : vector<1024x128xf32>
    %mul3A = vector.broadcast %get3A_1 : vector<1024x1xf32> to vector<1024x128xf32>
    %mul3A_16 = arith.mulf %add3A_15, %mul3A : vector<1024x128xf32>
    %max3A = arith.constant 0.000000e+00 : f32
    %max3A_17 = vector.broadcast %max3A : f32 to vector<1024x128xf32>
    %max3A_18 = arith.maximumf %mul3A_16, %max3A_17 : vector<1024x128xf32>
    %get3A_19 = arith.constant 0 : index
    %get3A_20 = arith.constant 0 : index
    %get3A_21 = vector.load %arg4[%get3A_19, %get3A_20] : memref<128x128xf32, #tpu.memory_space<vmem>>, vector<128x128xf32>
    %dot_general3A = arith.constant dense<0.000000e+00> : vector<1024x128xf32>
    %dot_general3A_22 = tpu.matmul %max3A_18, %get3A_21, %dot_general3A {dimension_numbers = #tpu.dot_dimension_numbers<[1], [1], [0], [0], [0, 0, 1, 0], [], []>, transpose_lhs_hint = false} : vector<1024x128xf32>, vector<128x128xf32>, vector<1024x128xf32> -> vector<1024x128xf32>
    %get3A_23 = arith.constant 0 : index
    %get3A_24 = arith.constant 0 : index
    %get3A_25 = vector.load %arg5[%get3A_23, %get3A_24] : memref<1x128xf32, #tpu.memory_space<vmem>>, vector<1x128xf32>
    %add3A_26 = vector.broadcast %get3A_25 : vector<1x128xf32> to vector<1024x128xf32>
    %add3A_27 = arith.addf %dot_general3A_22, %add3A_26 : vector<1024x128xf32>
    %mul3A_28 = vector.broadcast %get3A_1 : vector<1024x1xf32> to vector<1024x128xf32>
    %mul3A_29 = arith.mulf %add3A_27, %mul3A_28 : vector<1024x128xf32>
    %swap3A = arith.constant 0 : index
    %swap3A_30 = arith.constant 0 : index
    %swap3A_31 = vector.load %arg6[%swap3A, %swap3A_30] : memref<1024x128xf32, #tpu.memory_space<vmem>>, vector<1024x128xf32>
    tpu.vector_store %arg6[%swap3A, %swap3A_30], %mul3A_29 {strides = array<i32>} : memref<1024x128xf32, #tpu.memory_space<vmem>>, vector<1024x128xf32>,
    return
  }
  func.func @transform_0(%arg0: i32) -> (i32, i32, i32) {
    %c0_i32 = arith.constant 0 : i32
    %c0_i32_0 = arith.constant 0 : i32
    %c0_i32_1 = arith.constant 0 : i32
    return %c0_i32, %arg0, %c0_i32_0 : i32, i32, i32
  }
  func.func @transform_1(%arg0: i32) -> (i32, i32) {
    %c0_i32 = arith.constant 0 : i32
    %c0_i32_0 = arith.constant 0 : i32
    return %arg0, %c0_i32 : i32, i32
  }
  func.func @transform_2(%arg0: i32) -> (i32, i32) {
    %c0_i32 = arith.constant 0 : i32
    %c0_i32_0 = arith.constant 0 : i32
    return %arg0, %c0_i32 : i32, i32
  }
  func.func @transform_3(%arg0: i32) -> (i32, i32) {
    %c0_i32 = arith.constant 0 : i32
    %c0_i32_0 = arith.constant 0 : i32
    %c0_i32_1 = arith.constant 0 : i32
    return %c0_i32, %c0_i32_0 : i32, i32
  }
  func.func @transform_4(%arg0: i32) -> (i32, i32) {
    %c0_i32 = arith.constant 0 : i32
    %c0_i32_0 = arith.constant 0 : i32
    %c0_i32_1 = arith.constant 0 : i32
    return %c0_i32, %c0_i32_0 : i32, i32
  }
  func.func @transform_5(%arg0: i32) -> (i32, i32) {
    %c0_i32 = arith.constant 0 : i32
    %c0_i32_0 = arith.constant 0 : i32
    return %arg0, %c0_i32 : i32, i32
  }
}

module attributes {stable_mosaic.version = 14 : i64} {
  func.func @_final_body(%arg0: i32, %arg1: memref<2x1024x128xf32, #tpu.memory_space<vmem>>, %arg2: memref<1024x128xf32, #tpu.memory_space<vmem>>, %arg3: memref<1024x1xf32, #tpu.memory_space<vmem>>, %arg4: memref<1024x128xf32, #tpu.memory_space<vmem>>) attributes {dimension_semantics = [#tpu.dimension_semantics<arbitrary>], iteration_bounds = array<i64: 10>, scalar_prefetch = 0 : i64, scratch_operands = 0 : i64, tpu.core_type = #tpu.core_type<tc>, window_params = [{transform_indices = @transform_0, window_bounds = array<i64: 2, 1024, 128>}, {transform_indices = @transform_1, window_bounds = array<i64: 1024, 128>}, {transform_indices = @transform_2, window_bounds = array<i64: 1024, 1>}, {transform_indices = @transform_3, window_bounds = array<i64: 1024, 128>}]} {
    %get3A = arith.constant 0 : index
    %get3A_0 = arith.constant 0 : index
    %get3A_1 = arith.constant 0 : index
    %get3A_2 = vector.load %arg1[%get3A, %get3A_0, %get3A_1] : memref<2x1024x128xf32, #tpu.memory_space<vmem>>, vector<1x1024x128xf32>
    %get3A_3 = vector.shape_cast %get3A_2 : vector<1x1024x128xf32> to vector<1024x128xf32>
    %get3A_4 = arith.constant 1 : index
    %get3A_5 = arith.constant 0 : index
    %get3A_6 = arith.constant 0 : index
    %get3A_7 = vector.load %arg1[%get3A_4, %get3A_5, %get3A_6] : memref<2x1024x128xf32, #tpu.memory_space<vmem>>, vector<1x1024x128xf32>
    %get3A_8 = vector.shape_cast %get3A_7 : vector<1x1024x128xf32> to vector<1024x128xf32>
    %add3A = arith.addf %get3A_3, %get3A_8 : vector<1024x128xf32>
    %get3A_9 = arith.constant 0 : index
    %get3A_10 = arith.constant 0 : index
    %get3A_11 = vector.load %arg2[%get3A_9, %get3A_10] : memref<1024x128xf32, #tpu.memory_space<vmem>>, vector<1024x128xf32>
    %add3A_12 = arith.addf %add3A, %get3A_11 : vector<1024x128xf32>
    %get3A_13 = arith.constant 0 : index
    %get3A_14 = arith.constant 0 : index
    %get3A_15 = vector.load %arg3[%get3A_13, %get3A_14] : memref<1024x1xf32, #tpu.memory_space<vmem>>, vector<1024x1xf32>
    %mul3A = vector.broadcast %get3A_15 : vector<1024x1xf32> to vector<1024x128xf32>
    %mul3A_16 = arith.mulf %add3A_12, %mul3A : vector<1024x128xf32>
    %max3A = arith.constant 0.000000e+00 : f32
    %max3A_17 = vector.broadcast %max3A : f32 to vector<1024x128xf32>
    %max3A_18 = arith.maximumf %mul3A_16, %max3A_17 : vector<1024x128xf32>
    %swap3A = arith.constant 0 : index
    %swap3A_19 = arith.constant 0 : index
    %swap3A_20 = vector.load %arg4[%swap3A, %swap3A_19] : memref<1024x128xf32, #tpu.memory_space<vmem>>, vector<1024x128xf32>
    tpu.vector_store %arg4[%swap3A, %swap3A_19], %max3A_18 {strides = array<i32>} : memref<1024x128xf32, #tpu.memory_space<vmem>>, vector<1024x128xf32>,
    return
  }
  func.func @transform_0(%arg0: i32) -> (i32, i32, i32) {
    %c0_i32 = arith.constant 0 : i32
    %c0_i32_0 = arith.constant 0 : i32
    %c0_i32_1 = arith.constant 0 : i32
    return %c0_i32, %arg0, %c0_i32_0 : i32, i32, i32
  }
  func.func @transform_1(%arg0: i32) -> (i32, i32) {
    %c0_i32 = arith.constant 0 : i32
    %c0_i32_0 = arith.constant 0 : i32
    return %arg0, %c0_i32 : i32, i32
  }
  func.func @transform_2(%arg0: i32) -> (i32, i32) {
    %c0_i32 = arith.constant 0 : i32
    %c0_i32_0 = arith.constant 0 : i32
    return %arg0, %c0_i32 : i32, i32
  }
  func.func @transform_3(%arg0: i32) -> (i32, i32) {
    %c0_i32 = arith.constant 0 : i32
    %c0_i32_0 = arith.constant 0 : i32
    return %arg0, %c0_i32 : i32, i32
  }
}

</mosaic_0001>

<sc_bundles>
// kernel: kernel.11.cloned.1.call-start
scs
__scs_entry_jumppad:
0x0: {  	(pc) =	sbr.rel $0x88, $3  }
0x1: {  	(tag) =	ssettag $0x0;
	lr =	simm.s32 $0x1  }
0x2: {  	[smem:$0x3F9B] =	sst lr;
	_ =	strace $0xD0000000  }
0x3: {  	_ = 	snop  }
0x4: {  	_ = 	snop  }
0x5: {  	_ = 	snop  }
0x6: {  	_ = 	snop  }
0x7: {  	_ = 	snop  }
__scs_overlays_trampoline_lowered:
0x8: {  	[smem:$0x3FAA] =	sst s0  }
0x9: {  	[smem:$0x3FAB] =	sst s1  }
0xa: {  	[smem:$0x3FAC] =	sst s2  }
0xb: {  	[smem:$0x3FAD] =	sst s3  }
0xc: {  	[smem:$0x3FAE] =	sst s4  }
0xd: {  	[smem:$0x3FAF] =	sst s5  }
0xe: {  	[smem:$0x3FB0] =	sst s6  }
0xf: {  	[smem:$0x3FB1] =	sst s7  }
0x10: {  	[smem:$0x3FB2] =	sst s8  }
0x11: {  	[smem:$0x3FB3] =	sst s9;
	s0 =	simm.s32 @!p0 $0x0  }
0x12: {  	s1 =	sld [smem:$0x3F99];
	s0 =	simm.s32 @p0 $0x1  }
0x13: {  	[smem:$0x3FB4] =	sst s0;
	s0 =	simm.s32 @!p1 $0x0  }
0x14: {  	s2 =	sld [smem:$0x3F98];
	s0 =	simm.s32 @p1 $0x1  }
0x15: {  	[smem:$0x3FB5] =	sst s0;
	s0 =	simm.s32 @!p2 $0x0  }
0x16: {  	s3 =	sld [smem:$0x3FDB];
	s0 =	simm.s32 @p2 $0x1  }
0x17: {  	s4 =	simm.s32 $0x1BF5;
	[smem:$0x3FB7] =	sst s0  }
0x18: {  	s0 =	sld [smem:$0x3F9A];
	_ =	swait.ge [sflag:s4], $0x0  }
0x19: {  	s7 =	sld [smem:$0x3F9B]  }
0x1a: {  	s8 =	sadd.s32 $0xFFFFE003, lr  }
0x1b: {  	s9 =	sadd.s32 $0xFFFFFEF7, lr;
	s5 =	simm.s32 $0xFFFFFFFF;
	p2 =	slt.u32 s8, $0xFFFFF086  }
0x1c: {  	p1 =	slt.u32 s9, $0xF7A;
	s5 =	simm.s32 @!p2 $0x0  }
0x1d: {  	s5 =	simm.s32 @p1 $0x1;
	p0 =	seq.s32 s7, s2  }
0x1e: {  	s7 =	smul.u32 @!p0 $0xF7A, s2;
	p2 =	seq.s32 @!p0 s5, $0x0  }
0x1f: {  	s9 =	smul.u32 $0xF7A, s1;
	s8 =	simm.s32 @!p0 $0x1BF5;
	p2 =	por !p2, p0  }
0x20: {  	[sflag:s8] =	ssyncset.s32 @!p0 $0xFFFFF086;
	s6 =	sadd.s32 @!p0 s3, s7;
	s7 =	simm.s32 @!p0 $0x108  }
0x21: {  	s3 =	sadd.s32 s3, s9;
	s6 =	sadd.s32 @!p0 $0x88, s6;
	s7 =	simm.s32 @p2 $0x1082  }
0x22: {  	[simem:s7], [sflag:s8] =	dma.local @!p0 [hbm:s6], $0xF7A  }
0x23: {  	s9 =	sor.u32 $0xD0000000, s2;
	s6 =	simm.s32 $0x108;
	_ =	swait.ge @!p0 [sflag:s8], $0x0  }
0x24: {  	s3 =	sadd.s32 $0x88, s3;
	s6 =	simm.s32 @!p1 $0x1082;
	[sflag:s4] =	ssyncset.s32 $0xFFFFF086  }
0x25: {  	[simem:s6], [sflag:s4] =	dma.local [hbm:s3], $0xF7A  }
0x26: {  	[smem:$0x3F9B] =	sst s1;
	(tag) =	ssettag s2;
	_ =	strace s9  }
0x27: {  	s1 =	sld [smem:$0x3FAB]  }
0x28: {  	s2 =	sld [smem:$0x3FAC]  }
0x29: {  	s4 =	sld [smem:$0x3FAE]  }
0x2a: {  	p0 =	seq.s32 s5, $0x0;
	s5 =	sld [smem:$0x3FAF]  }
0x2b: {  	s6 =	sld [smem:$0x3FB0]  }
0x2c: {  	s7 =	sld [smem:$0x3FB1]  }
0x2d: {  	s3 =	simm.s32 $0x108;
	s8 =	sld [smem:$0x3FB2]  }
0x2e: {  	s3 =	simm.s32 @!p0 $0x1082;
	s9 =	sld [smem:$0x3FB3]  }
0x2f: {  	lr =	sadd.s32 s0, s3;
	s0 =	sld [smem:$0x3FAA]  }
0x30: {  	s3 =	sld [smem:$0x3FAD]  }
0x31: {  	[smem:$0x3FB6] =	sst s10  }
0x32: {  	s10 =	sld [smem:$0x3FB4];
	_ =	sdelay $0x3  }
0x33: {  	p0 =	seq.s32 s10, $0x1;
	s10 =	sld [smem:$0x3FB6];
	_ =	sdelay $0x3  }
0x34: {  	[smem:$0x3FB6] =	sst s10  }
0x35: {  	s10 =	sld [smem:$0x3FB5];
	_ =	sdelay $0x3  }
0x36: {  	p1 =	seq.s32 s10, $0x1;
	s10 =	sld [smem:$0x3FB6];
	_ =	sdelay $0x3  }
0x37: {  	[smem:$0x3FB6] =	sst s10  }
0x38: {  	s10 =	sld [smem:$0x3FB7]  }
0x39: {  	_ = 	snop;
	(pc) =	sbr.ind lr, $3  }
0x3a: {  	_ = 	snop  }
0x3b: {  	_ = 	snop  }
0x3c: {  	p2 =	seq.s32 s10, $0x1;
	s10 =	sld [smem:$0x3FB6]  }
0x3d: {  	_ =	shalt  }
0x3e: {  	_ =	shalt  }
0x3f: {  	_ =	shalt  }
0x40: {  	_ =	shalt  }
0x41: {  	_ =	shalt  }
0x42: {  	_ =	shalt  }
0x43: {  	_ =	shalt  }
0x44: {  	_ =	shalt  }
0x45: {  	_ =	shalt  }
0x46: {  	_ =	shalt  }
0x47: {  	_ =	shalt  }
0x48: {  	_ =	shalt  }
0x49: {  	_ =	shalt  }
0x4a: {  	_ =	shalt  }
0x4b: {  	_ =	shalt  }
0x4c: {  	_ =	shalt  }
0x4d: {  	_ =	shalt  }
0x4e: {  	_ =	shalt  }
0x4f: {  	_ =	shalt  }
0x50: {  	_ =	shalt  }
0x51: {  	_ =	shalt  }
0x52: {  	_ =	shalt  }
0x53: {  	_ =	shalt  }
0x54: {  	_ =	shalt  }
0x55: {  	_ =	shalt  }
0x56: {  	_ =	shalt  }
0x57: {  	_ =	shalt  }
0x58: {  	_ =	shalt  }
0x59: {  	_ =	shalt  }
0x5a: {  	_ =	shalt  }
0x5b: {  	_ =	shalt  }
0x5c: {  	_ =	shalt  }
0x5d: {  	_ =	shalt  }
0x5e: {  	_ =	shalt  }
0x5f: {  	_ =	shalt  }
0x60: {  	_ =	shalt  }
0x61: {  	_ =	shalt  }
0x62: {  	_ =	shalt  }
0x63: {  	_ =	shalt  }
0x64: {  	_ =	shalt  }
0x65: {  	_ =	shalt  }
0x66: {  	_ =	shalt  }
0x67: {  	_ =	shalt  }
0x68: {  	_ =	shalt  }
0x69: {  	_ =	shalt  }
0x6a: {  	_ =	shalt  }
0x6b: {  	_ =	shalt  }
0x6c: {  	_ =	shalt  }
0x6d: {  	_ =	shalt  }
0x6e: {  	_ =	shalt  }
0x6f: {  	_ =	shalt  }
0x70: {  	_ =	shalt  }
0x71: {  	_ =	shalt  }
0x72: {  	_ =	shalt  }
0x73: {  	_ =	shalt  }
0x74: {  	_ =	shalt  }
0x75: {  	_ =	shalt  }
0x76: {  	_ =	shalt  }
0x77: {  	_ =	shalt  }
0x78: {  	_ =	shalt  }
0x79: {  	_ =	shalt  }
0x7a: {  	_ =	shalt  }
0x7b: {  	_ =	shalt  }
0x7c: {  	_ =	shalt  }
0x7d: {  	_ =	shalt  }
0x7e: {  	_ =	shalt  }
0x7f: {  	_ =	shalt  }
0x80: {  	_ =	shalt  }
0x81: {  	_ =	shalt  }
0x82: {  	_ =	shalt  }
0x83: {  	_ =	shalt  }
0x84: {  	_ =	shalt  }
0x85: {  	_ =	shalt  }
0x86: {  	_ =	shalt  }
0x87: {  	_ =	shalt  }
.Lfunc_end0:
.L_simem_size_0:
called_computation.1_lowered:
.L_overlay_start_0:
0x88: {  	s2 =	sld [smem:$0x3FD9]  }
0x89: {  	s3 =	sld [smem:$0x3FFE];
	_ =	sdelay $0x1  }
0x8a: {  	s1 =	srdreg.scid  }
0x8b: {  	s0 =	sand.u32 $0x1, s1  }
0x8c: {  	s17 =	sshll.u32 s0, $0xA;
	s2 =	sadd.s32 s3, s2  }
0x8d: {  	s2 =	sadd.s32 s2, s17  }
0x8e: {  	[smem:$0x3FC2] =	sst s2  }
0x8f: {  	_ = 	snop  }
0x90: {  	s2 =	sld [smem:$0x3FD0];
	(tm) =	ssettm $0x1  }
0x91: {  	s18 =	sld [smem:$0x3FFB];
	_ =	sdelay $0x3  }
0x92: {  	_ =	strace s18  }
0x93: {  	s3 =	sld [smem:$0x3FFC];
	_ =	sdelay $0x3  }
0x94: {  	_ =	strace s3  }
0x95: {  	s3 =	sld [smem:$0x3FFD];
	_ =	sdelay $0x3  }
0x96: {  	_ =	strace s3  }
0x97: {  	_ =	strace $0x8FFFFFFF  }
0x98: {  	s19 =	sld [smem:$0x3FDB];
	_ =	sdelay $0x1  }
0x99: {  	s4 =	simm.s32 $_scs_section_size  }
0x9a: {  	s5 =	simm.s32 $_size__tile_overlayer_lowered;
	s6 =	simm.s32 $_tile_overlayer_lowered  }
0x9b: {  	s22 =	simm.s32 $0x1BFF;
	s21 =	sshll.u32 s6, $0x1;
	s3 =	sadd.s32 s4, s19  }
0x9c: {  	s7 =	simm.s32 $0x0;
	s20 =	sshll.u32 s5, $0x1;
	s5 =	sadd.s32 s21, s3  }
0x9d: {  	[timem:s7], [sflag:s22] =	dma.local [hbm:s5], s20  }
0x9e: {  	_ =	swait.ge [sflag:s22], s20  }
0x9f: {  	s4 =	ssub.s32 $0x0, s20;
	[sflag:s22] =	ssyncset.done $0x0  }
0xa0: {  	[sflag:s22] =	ssyncadd.s32 s4;
	_ =	sdelay $0x1  }
0xa1: {  	s23 =	simm.s32 $0x1B8B  }
0xa2: {  	_ =	swait.ge [sflag:s23], $0x1  }
0xa3: {  	[sflag:s23] =	ssyncset.done $0x0  }
0xa4: {  	s25 =	simm.s32 $0x1B8E;
	s24 =	sld [smem:$0x3FFE];
	[sflag:s23] =	ssyncadd.s32 $0xFFFFFFFF  }
0xa5: {  	s26 =	simm.s32 $execute0_lowered;
	[smem:$0x3FD2] =	sst s25  }
0xa6: {  	s5 =	sshll.u32 s26, $0x1;
	_ =	strace $0x80000049;
	[dreg:$0x1] =	wrdreg $0xFFFFFFFF  }
0xa7: {  	s28 =	simm.s32 $_size_execute0_lowered;
	s3 =	sadd.s32 s3, s5;
	[dreg:$0x0] =	wrdreg $0x0  }
0xa8: {  	s5 =	sshll.u32 s28, $0x1;
	[dreg:$0x2] =	wrdreg s3  }
0xa9: {  	[dreg:$0x3] =	wrdreg s5  }
0xaa: {  	[dreg:$0x4] =	wrdreg $0xC0  }
0xab: {  	_ =	task [dreg:s7], $0x5FFFF  }
0xac: {  	[dreg:$0x1] =	wrdreg $0xFFFFFFFF  }
0xad: {  	[dreg:$0x0] =	wrdreg $0x60  }
0xae: {  	[dreg:$0x2] =	wrdreg s24  }
0xaf: {  	[dreg:$0x3] =	wrdreg s2  }
0xb0: {  	[dreg:$0x4] =	wrdreg $0x90000  }
0xb1: {  	[dreg:$0x5] =	wrdreg $0x9  }
0xb2: {  	_ =	task.clear_ibuf [dreg:s7], $0x6FFFF;
	_ =	strace $0x90000049  }
0xb3: {  	s29 =	simm.s32 $0x9;
	_ =	strace $0x8000004B  }
0xb4: {  	_ =	swait.ge [sflag:s29], $0x1  }
0xb5: {  	[sflag:s29] =	ssyncadd.s32 $0xFFFFFFFF  }
0xb6: {  	_ =	strace $0x9000004B  }
0xb7: {  	_ =	sfence  }
0xb8: {  	s30 =	sld [smem:$0x0];
	_ =	sdelay $0x2  }
0xb9: {  	s31 =	sshll.u32 s1, $0xD;
	s1 =	sshrl.u32 s1, $0x2  }
0xba: {  	s3 =	sand.u32 $0x4000, s31;
	s1 =	sadd.s32 s1, s30  }
0xbb: {  	s0 =	sor.u32 s3, s0;
	s1 =	sshll.u32 s1, $0x11  }
0xbc: {  	s0 =	sor.u32 s1, s0  }
0xbd: {  	s0 =	sadd.s32 $0x8F2B, s0  }
0xbe: {  	[sflag:s0] =	ssyncadd.remote.s32 $0x1  }
0xbf: {  	_ =	sfence.sel $0xFFFF  }
0xc0: {  	[dreg:$0x0] =	wrdreg $0xFFFFFFFF;
	(pc) =	sbr.abs _section_cstart, $3  }
0xc1: {  	[dreg:$0x1] =	wrdreg $0xFFFFFFFF  }
0xc2: {  	_ =	task.clear_ibuf [dreg:s7], $0x2FFFF;
	_ =	strace $0x9FFFFFFF  }
0xc3: {  	(tm) =	ssettm $0x7FFFFFFF  }
tec
execute0_lowered:
.L_overlay_start_1:
0x0: {  	(tag) =	ssettag $0x1  }
0x1: {  	s7 =	rddreg [dreg:$0x0]  }
0x2: {  	s8 =	rddreg [dreg:$0x1]  }
0x3: {  	s0 =	srdreg.scid;
	s2 =	rddreg [dreg:$0x2]  }
0x4: {  	s3 =	simm.s32 $0x0;
	s14 =	simm.s32 $0x80;
	s15 =	simm.s32 $0x5000  }
0x5: {  	s16 =	simm.s32 $0x1;
	s6 =	sand.u32 $0x1, s0;
	s0 =	stileid.u32  }
0x6: {  	s17 =	simm.s32 $0x0;
	[smem:$0x7FF] =	sst s3;
	s5 =	smul.u32 $0x140000, s6  }
0x7: {  	s4 =	sadd.s32 $0x17000, s7;
	s1 =	sshll.u32 s6, $0x4;
	s10 =	smul.u32 $0x14000, s0  }
0x8: {  	s12 =	smul.u32 $0x50000, s0;
	s6 =	ssub.s32 $0x2, s6;
	s1 =	sor.u32 s0, s1  }
0x9: {  	s31 =	sshll.u32 s0, $0x6;
	s30 =	sshrl.u32 s6, $0x1;
	s9 =	smul.u32 $0x500, s1  }
0xa: {  	s1 =	rddreg [dreg:$0x3];
	_ =	strace $0x8000004A;
	s10 =	sadd.s32 s10, s5  }
0xb: {  	s5 =	sadd.s32 $0x2800, s7;
	s12 =	sshrl.u32 s12, $0x2;
	s13 =	ssub.s32 s6, s30  }
0xc: {  	s6 =	sor.u32 $0x1C02, s31;
	s10 =	sshrl.u32 s10, $0x3;
	s12 =	sadd.s32 s12, s2  }
0xd: {  	s11 =	sadd.s32 s9, s7;
	s10 =	sadd.s32 s10, s7;
	s8 =	sadd.s32 s8, s9  }
0xe: {  	s7 =	sadd.s32 $0xD000, s11;
	s9 =	sadd.s32 $0x3F000, s10;
	s10 =	smax.u32 s13, $0x1  }
0xf: {  	s11 =	sshrl.u32 s12, $0x3;
	s12 =	simm.s32 $0x2;
	s13 =	simm.s32 $0x2800  }
.LBB2_1:
0x10: {  	[spmem:s11], [sflag:s6] =	dma.local [hbm:s5], $0x2800  }
0x11: {  	_ =	swait.ge [sflag:s12], $0x2800  }
0x12: {  	[sflag:s12] =	ssyncset.done $0x0  }
0x13: {  	[sflag:s12] =	ssyncadd.s32 $0xFFFFD800  }
0x14: {  	[tilespmem:s3], [sflag:$0x2] =	stream.linear.gather [hbm4b:s7+s3], $0x2800, $0x38;
	[tilespmem:$0x1D000] =	vst v63  }
0x15: {  	_ =	swait.ge [sflag:s12], $0x2800  }
0x16: {  	[sflag:s12] =	ssyncset.done $0x0  }
0x17: {  	[sflag:s12] =	ssyncadd.s32 $0xFFFFD800  }
0x18: {  	[tilespmem:s13], [sflag:$0x2] =	stream.linear.gather [hbm4b:s8+s3], $0x2800, $0x38;
	[tilespmem:$0x1D000] =	vst v63  }
0x19: {  	_ =	swait.ge [sflag:s12], $0x2800  }
0x1a: {  	[sflag:s12] =	ssyncset.done $0x0  }
0x1b: {  	[sflag:s12] =	ssyncadd.s32 $0xFFFFD800  }
0x1c: {  	s18 =	simm.s32 $0x0;
	[bflag:$0x0] =	sbarrier.arrive $0xFFFF  }
0x1d: {  	[tilespmem:s15], [sflag:$0x1] =	stream.indirect.gather [hbm4b:s4+s14], $0x80, s18, s14, $0xb8;
	[tilespmem:$0x1D000] =	vst v63  }
0x1e: {  	_ =	swait.ge [sflag:s16], $0x4000  }
0x1f: {  	[sflag:s16] =	ssyncset.done $0x0  }
0x20: {  	s31 =	simm.s32 $0x2800;
	[sflag:s16] =	ssyncadd.s32 $0xFFFFC000  }
0x21: {  	[spmem:s2] =	stream.indirect.scatter.add.f32 [tilespmem:s15], [sflag:$0x2], $0x80, s31, s14, $0xb8;
	[tilespmem:$0x1D000] =	vst v63  }
0x22: {  	_ =	swait.ge [sflag:s12], $0x4000  }
0x23: {  	s19 =	simm.s32 $0x400;
	s18 =	simm.s32 $0x200;
	[sflag:s12] =	ssyncset.done $0x0  }
.LBB2_2:
0x24: {  	s20 =	sshra.s32 s18, $0x2  }
0x25: {  	[sflag:s12] =	ssyncadd.s32 $0xFFFFC000;
	s18 =	smov.u32 s19;
	s21 =	sadd.s32 $0x200, s19  }
0x26: {  	[tilespmem:s15], [sflag:$0x1] =	stream.indirect.gather [hbm4b:s4+s14], $0x80, s20, s14, $0xb8;
	[tilespmem:$0x1D000] =	vst v63  }
0x27: {  	p0 =	sne.s32 s19, $0x9E00;
	_ =	swait.ge [sflag:s16], $0x4000  }
.Ltmp0:
0x28: {  	[sflag:s16] =	ssyncset.done $0x0;
	(pc) =	sbr.rel @p0 .LBB2_2-.Ltmp0, $4  }
0x29: {  	s19 =	sadd.s32 $0x2800, s20;
	[sflag:s16] =	ssyncadd.s32 $0xFFFFC000  }
0x2a: {  	[spmem:s2] =	stream.indirect.scatter.add.f32 [tilespmem:s15], [sflag:$0x2], $0x80, s19, s14, $0xb8;
	[tilespmem:$0x1D000] =	vst v63  }
0x2b: {  	_ =	swait.ge [sflag:s12], $0x4000  }
0x2c: {  	s19 =	smov.u32 s21;
	[sflag:s12] =	ssyncset.done $0x0  }
0x2d: {  	s18 =	sshra.s32 s18, $0x2;
	[sflag:s12] =	ssyncadd.s32 $0xFFFFC000  }
0x2e: {  	[tilespmem:s15], [sflag:$0x1] =	stream.indirect.gather [hbm4b:s4+s14], $0x80, s18, s14, $0xb8;
	[tilespmem:$0x1D000] =	vst v63  }
0x2f: {  	_ =	swait.ge [sflag:s16], $0x4000  }
0x30: {  	[sflag:s16] =	ssyncset.done $0x0  }
0x31: {  	s18 =	sadd.s32 $0x2800, s18;
	[sflag:s16] =	ssyncadd.s32 $0xFFFFC000  }
0x32: {  	[spmem:s2] =	stream.indirect.scatter.add.f32 [tilespmem:s15], [sflag:$0x2], $0x80, s18, s14, $0xb8;
	[tilespmem:$0x1D000] =	vst v63  }
0x33: {  	_ =	swait.ge [sflag:s12], $0x4000  }
0x34: {  	s17 =	sadd.s32 $0x1, s17;
	[sflag:s12] =	ssyncset.done $0x0  }
0x35: {  	p0 =	sne.s32 s17, s10;
	[sflag:s12] =	ssyncadd.s32 $0xFFFFC000  }
.Ltmp1:
0x36: {  	[bflag:$0x0] =	sbarrier.arrive $0xFFFF;
	(pc) =	sbr.rel @p0 .LBB2_1-.Ltmp1, $4  }
0x37: {  	[hbm:s9], [sflag:s6] =	dma.local [spmem:s11], $0x2800  }
0x38: {  	_ =	swait.ge [sflag:s12], $0x2800  }
0x39: {  	[sflag:s12] =	ssyncset.done $0x0  }
0x3a: {  	[sflag:s12] =	ssyncadd.s32 $0xFFFFD800  }
0x3b: {  	_ =	sfence.sel $0x180000  }
0x3c: {  	[bflag:$0x0] =	sbarrier.arrive $0xFFFF  }
0x3d: {  	p0 =	sne.s32 s0, $0x0;
	_ =	strace $0x9000004A  }
0x3e: {  	s0 =	sadd.s32 @!p0 $0x100000, s1;
	[bflag:$0x2] =	sbarrier.arrive $0xFFFF  }
0x3f: {  	[sflag:s0] =	ssyncadd.tile.s32 @!p0 $0x1;
	_ =	shalt  }
.Lfunc_end2:
_tile_overlayer_lowered:
.L_overlay_start_2:
0x40: {  	(tag) =	ssettag $0x2  }
0x41: {  	s0 =	rddreg [dreg:$0x0];
	s2 =	stileid.u32  }
0x42: {  	s1 =	rddreg [dreg:$0x1];
	p0 =	sne.s32 s2, $0x0  }
0x43: {  	s3 =	rddreg [dreg:$0x2];
	[bflag:$0x3] =	sbarrier.arrive $0xFFFF;
	s2 =	simm.s32 @!p0 $0x1C02  }
0x44: {  	[timem:s3], [sflag:s2] =	dma.local @!p0 [hbm:s0], s1  }
0x45: {  	s0 =	simm.s32 @!p0 $0x2  }
0x46: {  	_ =	swait.ge @!p0 [sflag:s0], s1  }
0x47: {  	s1 =	ssub.s32 @!p0 $0x0, s1;
	[sflag:s0] =	ssyncset.done @!p0 $0x0  }
0x48: {  	[sflag:s0] =	ssyncadd.s32 @!p0 s1  }
0x49: {  	[bflag:$0x3] =	sbarrier.arrive $0xFFFF  }
0x4a: {  	_ =	shalt  }

// kernel: kernel.14.cloned.1.call-start
scs
__scs_entry_jumppad:
0x0: {  	(pc) =	sbr.rel $0x88, $3  }
0x1: {  	(tag) =	ssettag $0x0;
	lr =	simm.s32 $0x1  }
0x2: {  	[smem:$0x3F9B] =	sst lr;
	_ =	strace $0xD0000000  }
0x3: {  	_ = 	snop  }
0x4: {  	_ = 	snop  }
0x5: {  	_ = 	snop  }
0x6: {  	_ = 	snop  }
0x7: {  	_ = 	snop  }
__scs_overlays_trampoline_lowered:
0x8: {  	[smem:$0x3FAA] =	sst s0  }
0x9: {  	[smem:$0x3FAB] =	sst s1  }
0xa: {  	[smem:$0x3FAC] =	sst s2  }
0xb: {  	[smem:$0x3FAD] =	sst s3  }
0xc: {  	[smem:$0x3FAE] =	sst s4  }
0xd: {  	[smem:$0x3FAF] =	sst s5  }
0xe: {  	[smem:$0x3FB0] =	sst s6  }
0xf: {  	[smem:$0x3FB1] =	sst s7  }
0x10: {  	[smem:$0x3FB2] =	sst s8  }
0x11: {  	[smem:$0x3FB3] =	sst s9;
	s0 =	simm.s32 @!p0 $0x0  }
0x12: {  	s1 =	sld [smem:$0x3F99];
	s0 =	simm.s32 @p0 $0x1  }
0x13: {  	[smem:$0x3FB4] =	sst s0;
	s0 =	simm.s32 @!p1 $0x0  }
0x14: {  	s2 =	sld [smem:$0x3F98];
	s0 =	simm.s32 @p1 $0x1  }
0x15: {  	[smem:$0x3FB5] =	sst s0;
	s0 =	simm.s32 @!p2 $0x0  }
0x16: {  	s3 =	sld [smem:$0x3FDB];
	s0 =	simm.s32 @p2 $0x1  }
0x17: {  	s4 =	simm.s32 $0x1BF5;
	[smem:$0x3FB7] =	sst s0  }
0x18: {  	s0 =	sld [smem:$0x3F9A];
	_ =	swait.ge [sflag:s4], $0x0  }
0x19: {  	s7 =	sld [smem:$0x3F9B]  }
0x1a: {  	s8 =	sadd.s32 $0xFFFFE003, lr  }
0x1b: {  	s9 =	sadd.s32 $0xFFFFFEF7, lr;
	s5 =	simm.s32 $0xFFFFFFFF;
	p2 =	slt.u32 s8, $0xFFFFF086  }
0x1c: {  	p1 =	slt.u32 s9, $0xF7A;
	s5 =	simm.s32 @!p2 $0x0  }
0x1d: {  	s5 =	simm.s32 @p1 $0x1;
	p0 =	seq.s32 s7, s2  }
0x1e: {  	s7 =	smul.u32 @!p0 $0xF7A, s2;
	p2 =	seq.s32 @!p0 s5, $0x0  }
0x1f: {  	s9 =	smul.u32 $0xF7A, s1;
	s8 =	simm.s32 @!p0 $0x1BF5;
	p2 =	por !p2, p0  }
0x20: {  	[sflag:s8] =	ssyncset.s32 @!p0 $0xFFFFF086;
	s6 =	sadd.s32 @!p0 s3, s7;
	s7 =	simm.s32 @!p0 $0x108  }
0x21: {  	s3 =	sadd.s32 s3, s9;
	s6 =	sadd.s32 @!p0 $0x88, s6;
	s7 =	simm.s32 @p2 $0x1082  }
0x22: {  	[simem:s7], [sflag:s8] =	dma.local @!p0 [hbm:s6], $0xF7A  }
0x23: {  	s9 =	sor.u32 $0xD0000000, s2;
	s6 =	simm.s32 $0x108;
	_ =	swait.ge @!p0 [sflag:s8], $0x0  }
0x24: {  	s3 =	sadd.s32 $0x88, s3;
	s6 =	simm.s32 @!p1 $0x1082;
	[sflag:s4] =	ssyncset.s32 $0xFFFFF086  }
0x25: {  	[simem:s6], [sflag:s4] =	dma.local [hbm:s3], $0xF7A  }
0x26: {  	[smem:$0x3F9B] =	sst s1;
	(tag) =	ssettag s2;
	_ =	strace s9  }
0x27: {  	s1 =	sld [smem:$0x3FAB]  }
0x28: {  	s2 =	sld [smem:$0x3FAC]  }
0x29: {  	s4 =	sld [smem:$0x3FAE]  }
0x2a: {  	p0 =	seq.s32 s5, $0x0;
	s5 =	sld [smem:$0x3FAF]  }
0x2b: {  	s6 =	sld [smem:$0x3FB0]  }
0x2c: {  	s7 =	sld [smem:$0x3FB1]  }
0x2d: {  	s3 =	simm.s32 $0x108;
	s8 =	sld [smem:$0x3FB2]  }
0x2e: {  	s3 =	simm.s32 @!p0 $0x1082;
	s9 =	sld [smem:$0x3FB3]  }
0x2f: {  	lr =	sadd.s32 s0, s3;
	s0 =	sld [smem:$0x3FAA]  }
0x30: {  	s3 =	sld [smem:$0x3FAD]  }
0x31: {  	[smem:$0x3FB6] =	sst s10  }
0x32: {  	s10 =	sld [smem:$0x3FB4];
	_ =	sdelay $0x3  }
0x33: {  	p0 =	seq.s32 s10, $0x1;
	s10 =	sld [smem:$0x3FB6];
	_ =	sdelay $0x3  }
0x34: {  	[smem:$0x3FB6] =	sst s10  }
0x35: {  	s10 =	sld [smem:$0x3FB5];
	_ =	sdelay $0x3  }
0x36: {  	p1 =	seq.s32 s10, $0x1;
	s10 =	sld [smem:$0x3FB6];
	_ =	sdelay $0x3  }
0x37: {  	[smem:$0x3FB6] =	sst s10  }
0x38: {  	s10 =	sld [smem:$0x3FB7]  }
0x39: {  	_ = 	snop;
	(pc) =	sbr.ind lr, $3  }
0x3a: {  	_ = 	snop  }
0x3b: {  	_ = 	snop  }
0x3c: {  	p2 =	seq.s32 s10, $0x1;
	s10 =	sld [smem:$0x3FB6]  }
0x3d: {  	_ =	shalt  }
0x3e: {  	_ =	shalt  }
0x3f: {  	_ =	shalt  }
0x40: {  	_ =	shalt  }
0x41: {  	_ =	shalt  }
0x42: {  	_ =	shalt  }
0x43: {  	_ =	shalt  }
0x44: {  	_ =	shalt  }
0x45: {  	_ =	shalt  }
0x46: {  	_ =	shalt  }
0x47: {  	_ =	shalt  }
0x48: {  	_ =	shalt  }
0x49: {  	_ =	shalt  }
0x4a: {  	_ =	shalt  }
0x4b: {  	_ =	shalt  }
0x4c: {  	_ =	shalt  }
0x4d: {  	_ =	shalt  }
0x4e: {  	_ =	shalt  }
0x4f: {  	_ =	shalt  }
0x50: {  	_ =	shalt  }
0x51: {  	_ =	shalt  }
0x52: {  	_ =	shalt  }
0x53: {  	_ =	shalt  }
0x54: {  	_ =	shalt  }
0x55: {  	_ =	shalt  }
0x56: {  	_ =	shalt  }
0x57: {  	_ =	shalt  }
0x58: {  	_ =	shalt  }
0x59: {  	_ =	shalt  }
0x5a: {  	_ =	shalt  }
0x5b: {  	_ =	shalt  }
0x5c: {  	_ =	shalt  }
0x5d: {  	_ =	shalt  }
0x5e: {  	_ =	shalt  }
0x5f: {  	_ =	shalt  }
0x60: {  	_ =	shalt  }
0x61: {  	_ =	shalt  }
0x62: {  	_ =	shalt  }
0x63: {  	_ =	shalt  }
0x64: {  	_ =	shalt  }
0x65: {  	_ =	shalt  }
0x66: {  	_ =	shalt  }
0x67: {  	_ =	shalt  }
0x68: {  	_ =	shalt  }
0x69: {  	_ =	shalt  }
0x6a: {  	_ =	shalt  }
0x6b: {  	_ =	shalt  }
0x6c: {  	_ =	shalt  }
0x6d: {  	_ =	shalt  }
0x6e: {  	_ =	shalt  }
0x6f: {  	_ =	shalt  }
0x70: {  	_ =	shalt  }
0x71: {  	_ =	shalt  }
0x72: {  	_ =	shalt  }
0x73: {  	_ =	shalt  }
0x74: {  	_ =	shalt  }
0x75: {  	_ =	shalt  }
0x76: {  	_ =	shalt  }
0x77: {  	_ =	shalt  }
0x78: {  	_ =	shalt  }
0x79: {  	_ =	shalt  }
0x7a: {  	_ =	shalt  }
0x7b: {  	_ =	shalt  }
0x7c: {  	_ =	shalt  }
0x7d: {  	_ =	shalt  }
0x7e: {  	_ =	shalt  }
0x7f: {  	_ =	shalt  }
0x80: {  	_ =	shalt  }
0x81: {  	_ =	shalt  }
0x82: {  	_ =	shalt  }
0x83: {  	_ =	shalt  }
0x84: {  	_ =	shalt  }
0x85: {  	_ =	shalt  }
0x86: {  	_ =	shalt  }
0x87: {  	_ =	shalt  }
.Lfunc_end0:
.L_simem_size_0:
called_computation.2_lowered:
.L_overlay_start_0:
0x88: {  	s2 =	sld [smem:$0x3FD9]  }
0x89: {  	s3 =	sld [smem:$0x3FFE];
	_ =	sdelay $0x1  }
0x8a: {  	s1 =	srdreg.scid  }
0x8b: {  	s0 =	sand.u32 $0x1, s1  }
0x8c: {  	s17 =	sshll.u32 s0, $0xA;
	s2 =	sadd.s32 s3, s2  }
0x8d: {  	s2 =	sadd.s32 s2, s17  }
0x8e: {  	[smem:$0x3FC2] =	sst s2  }
0x8f: {  	_ = 	snop  }
0x90: {  	s2 =	sld [smem:$0x3FD0];
	(tm) =	ssettm $0x1  }
0x91: {  	s18 =	sld [smem:$0x3FFB];
	_ =	sdelay $0x3  }
0x92: {  	_ =	strace s18  }
0x93: {  	s3 =	sld [smem:$0x3FFC];
	_ =	sdelay $0x3  }
0x94: {  	_ =	strace s3  }
0x95: {  	s3 =	sld [smem:$0x3FFD];
	_ =	sdelay $0x3  }
0x96: {  	_ =	strace s3  }
0x97: {  	_ =	strace $0x8FFFFFFF  }
0x98: {  	s19 =	sld [smem:$0x3FDB];
	_ =	sdelay $0x1  }
0x99: {  	s4 =	simm.s32 $_scs_section_size  }
0x9a: {  	s5 =	simm.s32 $_size__tile_overlayer_lowered;
	s6 =	simm.s32 $_tile_overlayer_lowered  }
0x9b: {  	s22 =	simm.s32 $0x1BFF;
	s21 =	sshll.u32 s6, $0x1;
	s3 =	sadd.s32 s4, s19  }
0x9c: {  	s7 =	simm.s32 $0x0;
	s20 =	sshll.u32 s5, $0x1;
	s5 =	sadd.s32 s21, s3  }
0x9d: {  	[timem:s7], [sflag:s22] =	dma.local [hbm:s5], s20  }
0x9e: {  	_ =	swait.ge [sflag:s22], s20  }
0x9f: {  	s4 =	ssub.s32 $0x0, s20;
	[sflag:s22] =	ssyncset.done $0x0  }
0xa0: {  	[sflag:s22] =	ssyncadd.s32 s4;
	_ =	sdelay $0x1  }
0xa1: {  	s23 =	simm.s32 $0x1B8B  }
0xa2: {  	_ =	swait.ge [sflag:s23], $0x1  }
0xa3: {  	[sflag:s23] =	ssyncset.done $0x0  }
0xa4: {  	s25 =	simm.s32 $0x1B8E;
	s24 =	sld [smem:$0x3FFE];
	[sflag:s23] =	ssyncadd.s32 $0xFFFFFFFF  }
0xa5: {  	s26 =	simm.s32 $execute0_lowered;
	[smem:$0x3FD2] =	sst s25  }
0xa6: {  	s5 =	sshll.u32 s26, $0x1;
	_ =	strace $0x8000004C;
	[dreg:$0x1] =	wrdreg $0xFFFFFFFF  }
0xa7: {  	s28 =	simm.s32 $_size_execute0_lowered;
	s3 =	sadd.s32 s3, s5;
	[dreg:$0x0] =	wrdreg $0x0  }
0xa8: {  	s5 =	sshll.u32 s28, $0x1;
	[dreg:$0x2] =	wrdreg s3  }
0xa9: {  	[dreg:$0x3] =	wrdreg s5  }
0xaa: {  	[dreg:$0x4] =	wrdreg $0xC0  }
0xab: {  	_ =	task [dreg:s7], $0x5FFFF  }
0xac: {  	[dreg:$0x1] =	wrdreg $0xFFFFFFFF  }
0xad: {  	[dreg:$0x0] =	wrdreg $0x60  }
0xae: {  	[dreg:$0x2] =	wrdreg s24  }
0xaf: {  	[dreg:$0x3] =	wrdreg s2  }
0xb0: {  	[dreg:$0x4] =	wrdreg $0x90000  }
0xb1: {  	[dreg:$0x5] =	wrdreg $0x9  }
0xb2: {  	_ =	task.clear_ibuf [dreg:s7], $0x6FFFF;
	_ =	strace $0x9000004C  }
0xb3: {  	s29 =	simm.s32 $0x9;
	_ =	strace $0x8000004E  }
0xb4: {  	_ =	swait.ge [sflag:s29], $0x1  }
0xb5: {  	[sflag:s29] =	ssyncadd.s32 $0xFFFFFFFF  }
0xb6: {  	_ =	strace $0x9000004E  }
0xb7: {  	_ =	sfence  }
0xb8: {  	s30 =	sld [smem:$0x0];
	_ =	sdelay $0x2  }
0xb9: {  	s31 =	sshll.u32 s1, $0xD;
	s1 =	sshrl.u32 s1, $0x2  }
0xba: {  	s3 =	sand.u32 $0x4000, s31;
	s1 =	sadd.s32 s1, s30  }
0xbb: {  	s0 =	sor.u32 s3, s0;
	s1 =	sshll.u32 s1, $0x11  }
0xbc: {  	s0 =	sor.u32 s1, s0  }
0xbd: {  	s0 =	sadd.s32 $0x8F2B, s0  }
0xbe: {  	[sflag:s0] =	ssyncadd.remote.s32 $0x1  }
0xbf: {  	_ =	sfence.sel $0xFFFF  }
0xc0: {  	[dreg:$0x0] =	wrdreg $0xFFFFFFFF;
	(pc) =	sbr.abs _section_cstart, $3  }
0xc1: {  	[dreg:$0x1] =	wrdreg $0xFFFFFFFF  }
0xc2: {  	_ =	task.clear_ibuf [dreg:s7], $0x2FFFF;
	_ =	strace $0x9FFFFFFF  }
0xc3: {  	(tm) =	ssettm $0x7FFFFFFF  }
tec
execute0_lowered:
.L_overlay_start_1:
0x0: {  	(tag) =	ssettag $0x1  }
0x1: {  	s7 =	rddreg [dreg:$0x0]  }
0x2: {  	s8 =	rddreg [dreg:$0x1]  }
0x3: {  	s0 =	srdreg.scid;
	s2 =	rddreg [dreg:$0x2]  }
0x4: {  	s3 =	simm.s32 $0x0;
	s14 =	simm.s32 $0x80;
	s15 =	simm.s32 $0x5000  }
0x5: {  	s16 =	simm.s32 $0x1;
	s6 =	sand.u32 $0x1, s0;
	s0 =	stileid.u32  }
0x6: {  	s17 =	simm.s32 $0x0;
	[smem:$0x7FF] =	sst s3;
	s5 =	smul.u32 $0x140000, s6  }
0x7: {  	s4 =	sadd.s32 $0x17000, s7;
	s1 =	sshll.u32 s6, $0x4;
	s10 =	smul.u32 $0x14000, s0  }
0x8: {  	s12 =	smul.u32 $0x50000, s0;
	s6 =	ssub.s32 $0x2, s6;
	s1 =	sor.u32 s0, s1  }
0x9: {  	s31 =	sshll.u32 s0, $0x6;
	s30 =	sshrl.u32 s6, $0x1;
	s9 =	smul.u32 $0x500, s1  }
0xa: {  	s1 =	rddreg [dreg:$0x3];
	_ =	strace $0x8000004D;
	s10 =	sadd.s32 s10, s5  }
0xb: {  	s5 =	sadd.s32 $0x2800, s7;
	s12 =	sshrl.u32 s12, $0x2;
	s13 =	ssub.s32 s6, s30  }
0xc: {  	s6 =	sor.u32 $0x1C02, s31;
	s10 =	sshrl.u32 s10, $0x3;
	s12 =	sadd.s32 s12, s2  }
0xd: {  	s11 =	sadd.s32 s9, s7;
	s10 =	sadd.s32 s10, s7;
	s8 =	sadd.s32 s8, s9  }
0xe: {  	s7 =	sadd.s32 $0xD000, s11;
	s9 =	sadd.s32 $0x3F000, s10;
	s10 =	smax.u32 s13, $0x1  }
0xf: {  	s11 =	sshrl.u32 s12, $0x3;
	s12 =	simm.s32 $0x2;
	s13 =	simm.s32 $0x2800  }
.LBB2_1:
0x10: {  	[spmem:s11], [sflag:s6] =	dma.local [hbm:s5], $0x2800  }
0x11: {  	_ =	swait.ge [sflag:s12], $0x2800  }
0x12: {  	[sflag:s12] =	ssyncset.done $0x0  }
0x13: {  	[sflag:s12] =	ssyncadd.s32 $0xFFFFD800  }
0x14: {  	[tilespmem:s3], [sflag:$0x2] =	stream.linear.gather [hbm4b:s7+s3], $0x2800, $0x38;
	[tilespmem:$0x1D000] =	vst v63  }
0x15: {  	_ =	swait.ge [sflag:s12], $0x2800  }
0x16: {  	[sflag:s12] =	ssyncset.done $0x0  }
0x17: {  	[sflag:s12] =	ssyncadd.s32 $0xFFFFD800  }
0x18: {  	[tilespmem:s13], [sflag:$0x2] =	stream.linear.gather [hbm4b:s8+s3], $0x2800, $0x38;
	[tilespmem:$0x1D000] =	vst v63  }
0x19: {  	_ =	swait.ge [sflag:s12], $0x2800  }
0x1a: {  	[sflag:s12] =	ssyncset.done $0x0  }
0x1b: {  	[sflag:s12] =	ssyncadd.s32 $0xFFFFD800  }
0x1c: {  	s18 =	simm.s32 $0x0;
	[bflag:$0x0] =	sbarrier.arrive $0xFFFF  }
0x1d: {  	[tilespmem:s15], [sflag:$0x1] =	stream.indirect.gather [hbm4b:s4+s14], $0x80, s18, s14, $0xb8;
	[tilespmem:$0x1D000] =	vst v63  }
0x1e: {  	_ =	swait.ge [sflag:s16], $0x4000  }
0x1f: {  	[sflag:s16] =	ssyncset.done $0x0  }
0x20: {  	s31 =	simm.s32 $0x2800;
	[sflag:s16] =	ssyncadd.s32 $0xFFFFC000  }
0x21: {  	[spmem:s2] =	stream.indirect.scatter.add.f32 [tilespmem:s15], [sflag:$0x2], $0x80, s31, s14, $0xb8;
	[tilespmem:$0x1D000] =	vst v63  }
0x22: {  	_ =	swait.ge [sflag:s12], $0x4000  }
0x23: {  	s19 =	simm.s32 $0x400;
	s18 =	simm.s32 $0x200;
	[sflag:s12] =	ssyncset.done $0x0  }
.LBB2_2:
0x24: {  	s20 =	sshra.s32 s18, $0x2  }
0x25: {  	[sflag:s12] =	ssyncadd.s32 $0xFFFFC000;
	s18 =	smov.u32 s19;
	s21 =	sadd.s32 $0x200, s19  }
0x26: {  	[tilespmem:s15], [sflag:$0x1] =	stream.indirect.gather [hbm4b:s4+s14], $0x80, s20, s14, $0xb8;
	[tilespmem:$0x1D000] =	vst v63  }
0x27: {  	p0 =	sne.s32 s19, $0x9E00;
	_ =	swait.ge [sflag:s16], $0x4000  }
.Ltmp0:
0x28: {  	[sflag:s16] =	ssyncset.done $0x0;
	(pc) =	sbr.rel @p0 .LBB2_2-.Ltmp0, $4  }
0x29: {  	s19 =	sadd.s32 $0x2800, s20;
	[sflag:s16] =	ssyncadd.s32 $0xFFFFC000  }
0x2a: {  	[spmem:s2] =	stream.indirect.scatter.add.f32 [tilespmem:s15], [sflag:$0x2], $0x80, s19, s14, $0xb8;
	[tilespmem:$0x1D000] =	vst v63  }
0x2b: {  	_ =	swait.ge [sflag:s12], $0x4000  }
0x2c: {  	s19 =	smov.u32 s21;
	[sflag:s12] =	ssyncset.done $0x0  }
0x2d: {  	s18 =	sshra.s32 s18, $0x2;
	[sflag:s12] =	ssyncadd.s32 $0xFFFFC000  }
0x2e: {  	[tilespmem:s15], [sflag:$0x1] =	stream.indirect.gather [hbm4b:s4+s14], $0x80, s18, s14, $0xb8;
	[tilespmem:$0x1D000] =	vst v63  }
0x2f: {  	_ =	swait.ge [sflag:s16], $0x4000  }
0x30: {  	[sflag:s16] =	ssyncset.done $0x0  }
0x31: {  	s18 =	sadd.s32 $0x2800, s18;
	[sflag:s16] =	ssyncadd.s32 $0xFFFFC000  }
0x32: {  	[spmem:s2] =	stream.indirect.scatter.add.f32 [tilespmem:s15], [sflag:$0x2], $0x80, s18, s14, $0xb8;
	[tilespmem:$0x1D000] =	vst v63  }
0x33: {  	_ =	swait.ge [sflag:s12], $0x4000  }
0x34: {  	s17 =	sadd.s32 $0x1, s17;
	[sflag:s12] =	ssyncset.done $0x0  }
0x35: {  	p0 =	sne.s32 s17, s10;
	[sflag:s12] =	ssyncadd.s32 $0xFFFFC000  }
.Ltmp1:
0x36: {  	[bflag:$0x0] =	sbarrier.arrive $0xFFFF;
	(pc) =	sbr.rel @p0 .LBB2_1-.Ltmp1, $4  }
0x37: {  	[hbm:s9], [sflag:s6] =	dma.local [spmem:s11], $0x2800  }
0x38: {  	_ =	swait.ge [sflag:s12], $0x2800  }
0x39: {  	[sflag:s12] =	ssyncset.done $0x0  }
0x3a: {  	[sflag:s12] =	ssyncadd.s32 $0xFFFFD800  }
0x3b: {  	_ =	sfence.sel $0x180000  }
0x3c: {  	[bflag:$0x0] =	sbarrier.arrive $0xFFFF  }
0x3d: {  	p0 =	sne.s32 s0, $0x0;
	_ =	strace $0x9000004D  }
0x3e: {  	s0 =	sadd.s32 @!p0 $0x100000, s1;
	[bflag:$0x2] =	sbarrier.arrive $0xFFFF  }
0x3f: {  	[sflag:s0] =	ssyncadd.tile.s32 @!p0 $0x1;
	_ =	shalt  }
.Lfunc_end2:
_tile_overlayer_lowered:
.L_overlay_start_2:
0x40: {  	(tag) =	ssettag $0x2  }
0x41: {  	s0 =	rddreg [dreg:$0x0];
	s2 =	stileid.u32  }
0x42: {  	s1 =	rddreg [dreg:$0x1];
	p0 =	sne.s32 s2, $0x0  }
0x43: {  	s3 =	rddreg [dreg:$0x2];
	[bflag:$0x3] =	sbarrier.arrive $0xFFFF;
	s2 =	simm.s32 @!p0 $0x1C02  }
0x44: {  	[timem:s3], [sflag:s2] =	dma.local @!p0 [hbm:s0], s1  }
0x45: {  	s0 =	simm.s32 @!p0 $0x2  }
0x46: {  	_ =	swait.ge @!p0 [sflag:s0], s1  }
0x47: {  	s1 =	ssub.s32 @!p0 $0x0, s1;
	[sflag:s0] =	ssyncset.done @!p0 $0x0  }
0x48: {  	[sflag:s0] =	ssyncadd.s32 @!p0 s1  }
0x49: {  	[bflag:$0x3] =	sbarrier.arrive $0xFFFF  }
0x4a: {  	_ =	shalt  }

// kernel: kernel.8.cloned.1.call-start
scs
__scs_entry_jumppad:
0x0: {  	(pc) =	sbr.rel $0x88, $3  }
0x1: {  	(tag) =	ssettag $0x0;
	lr =	simm.s32 $0x1  }
0x2: {  	[smem:$0x3F9B] =	sst lr;
	_ =	strace $0xD0000000  }
0x3: {  	_ = 	snop  }
0x4: {  	_ = 	snop  }
0x5: {  	_ = 	snop  }
0x6: {  	_ = 	snop  }
0x7: {  	_ = 	snop  }
__scs_overlays_trampoline_lowered:
0x8: {  	[smem:$0x3FAA] =	sst s0  }
0x9: {  	[smem:$0x3FAB] =	sst s1  }
0xa: {  	[smem:$0x3FAC] =	sst s2  }
0xb: {  	[smem:$0x3FAD] =	sst s3  }
0xc: {  	[smem:$0x3FAE] =	sst s4  }
0xd: {  	[smem:$0x3FAF] =	sst s5  }
0xe: {  	[smem:$0x3FB0] =	sst s6  }
0xf: {  	[smem:$0x3FB1] =	sst s7  }
0x10: {  	[smem:$0x3FB2] =	sst s8  }
0x11: {  	[smem:$0x3FB3] =	sst s9;
	s0 =	simm.s32 @!p0 $0x0  }
0x12: {  	s1 =	sld [smem:$0x3F99];
	s0 =	simm.s32 @p0 $0x1  }
0x13: {  	[smem:$0x3FB4] =	sst s0;
	s0 =	simm.s32 @!p1 $0x0  }
0x14: {  	s2 =	sld [smem:$0x3F98];
	s0 =	simm.s32 @p1 $0x1  }
0x15: {  	[smem:$0x3FB5] =	sst s0;
	s0 =	simm.s32 @!p2 $0x0  }
0x16: {  	s3 =	sld [smem:$0x3FDB];
	s0 =	simm.s32 @p2 $0x1  }
0x17: {  	s4 =	simm.s32 $0x1BF5;
	[smem:$0x3FB7] =	sst s0  }
0x18: {  	s0 =	sld [smem:$0x3F9A];
	_ =	swait.ge [sflag:s4], $0x0  }
0x19: {  	s7 =	sld [smem:$0x3F9B]  }
0x1a: {  	s8 =	sadd.s32 $0xFFFFE003, lr  }
0x1b: {  	s9 =	sadd.s32 $0xFFFFFEF7, lr;
	s5 =	simm.s32 $0xFFFFFFFF;
	p2 =	slt.u32 s8, $0xFFFFF086  }
0x1c: {  	p1 =	slt.u32 s9, $0xF7A;
	s5 =	simm.s32 @!p2 $0x0  }
0x1d: {  	s5 =	simm.s32 @p1 $0x1;
	p0 =	seq.s32 s7, s2  }
0x1e: {  	s7 =	smul.u32 @!p0 $0xF7A, s2;
	p2 =	seq.s32 @!p0 s5, $0x0  }
0x1f: {  	s9 =	smul.u32 $0xF7A, s1;
	s8 =	simm.s32 @!p0 $0x1BF5;
	p2 =	por !p2, p0  }
0x20: {  	[sflag:s8] =	ssyncset.s32 @!p0 $0xFFFFF086;
	s6 =	sadd.s32 @!p0 s3, s7;
	s7 =	simm.s32 @!p0 $0x108  }
0x21: {  	s3 =	sadd.s32 s3, s9;
	s6 =	sadd.s32 @!p0 $0x88, s6;
	s7 =	simm.s32 @p2 $0x1082  }
0x22: {  	[simem:s7], [sflag:s8] =	dma.local @!p0 [hbm:s6], $0xF7A  }
0x23: {  	s9 =	sor.u32 $0xD0000000, s2;
	s6 =	simm.s32 $0x108;
	_ =	swait.ge @!p0 [sflag:s8], $0x0  }
0x24: {  	s3 =	sadd.s32 $0x88, s3;
	s6 =	simm.s32 @!p1 $0x1082;
	[sflag:s4] =	ssyncset.s32 $0xFFFFF086  }
0x25: {  	[simem:s6], [sflag:s4] =	dma.local [hbm:s3], $0xF7A  }
0x26: {  	[smem:$0x3F9B] =	sst s1;
	(tag) =	ssettag s2;
	_ =	strace s9  }
0x27: {  	s1 =	sld [smem:$0x3FAB]  }
0x28: {  	s2 =	sld [smem:$0x3FAC]  }
0x29: {  	s4 =	sld [smem:$0x3FAE]  }
0x2a: {  	p0 =	seq.s32 s5, $0x0;
	s5 =	sld [smem:$0x3FAF]  }
0x2b: {  	s6 =	sld [smem:$0x3FB0]  }
0x2c: {  	s7 =	sld [smem:$0x3FB1]  }
0x2d: {  	s3 =	simm.s32 $0x108;
	s8 =	sld [smem:$0x3FB2]  }
0x2e: {  	s3 =	simm.s32 @!p0 $0x1082;
	s9 =	sld [smem:$0x3FB3]  }
0x2f: {  	lr =	sadd.s32 s0, s3;
	s0 =	sld [smem:$0x3FAA]  }
0x30: {  	s3 =	sld [smem:$0x3FAD]  }
0x31: {  	[smem:$0x3FB6] =	sst s10  }
0x32: {  	s10 =	sld [smem:$0x3FB4];
	_ =	sdelay $0x3  }
0x33: {  	p0 =	seq.s32 s10, $0x1;
	s10 =	sld [smem:$0x3FB6];
	_ =	sdelay $0x3  }
0x34: {  	[smem:$0x3FB6] =	sst s10  }
0x35: {  	s10 =	sld [smem:$0x3FB5];
	_ =	sdelay $0x3  }
0x36: {  	p1 =	seq.s32 s10, $0x1;
	s10 =	sld [smem:$0x3FB6];
	_ =	sdelay $0x3  }
0x37: {  	[smem:$0x3FB6] =	sst s10  }
0x38: {  	s10 =	sld [smem:$0x3FB7]  }
0x39: {  	_ = 	snop;
	(pc) =	sbr.ind lr, $3  }
0x3a: {  	_ = 	snop  }
0x3b: {  	_ = 	snop  }
0x3c: {  	p2 =	seq.s32 s10, $0x1;
	s10 =	sld [smem:$0x3FB6]  }
0x3d: {  	_ =	shalt  }
0x3e: {  	_ =	shalt  }
0x3f: {  	_ =	shalt  }
0x40: {  	_ =	shalt  }
0x41: {  	_ =	shalt  }
0x42: {  	_ =	shalt  }
0x43: {  	_ =	shalt  }
0x44: {  	_ =	shalt  }
0x45: {  	_ =	shalt  }
0x46: {  	_ =	shalt  }
0x47: {  	_ =	shalt  }
0x48: {  	_ =	shalt  }
0x49: {  	_ =	shalt  }
0x4a: {  	_ =	shalt  }
0x4b: {  	_ =	shalt  }
0x4c: {  	_ =	shalt  }
0x4d: {  	_ =	shalt  }
0x4e: {  	_ =	shalt  }
0x4f: {  	_ =	shalt  }
0x50: {  	_ =	shalt  }
0x51: {  	_ =	shalt  }
0x52: {  	_ =	shalt  }
0x53: {  	_ =	shalt  }
0x54: {  	_ =	shalt  }
0x55: {  	_ =	shalt  }
0x56: {  	_ =	shalt  }
0x57: {  	_ =	shalt  }
0x58: {  	_ =	shalt  }
0x59: {  	_ =	shalt  }
0x5a: {  	_ =	shalt  }
0x5b: {  	_ =	shalt  }
0x5c: {  	_ =	shalt  }
0x5d: {  	_ =	shalt  }
0x5e: {  	_ =	shalt  }
0x5f: {  	_ =	shalt  }
0x60: {  	_ =	shalt  }
0x61: {  	_ =	shalt  }
0x62: {  	_ =	shalt  }
0x63: {  	_ =	shalt  }
0x64: {  	_ =	shalt  }
0x65: {  	_ =	shalt  }
0x66: {  	_ =	shalt  }
0x67: {  	_ =	shalt  }
0x68: {  	_ =	shalt  }
0x69: {  	_ =	shalt  }
0x6a: {  	_ =	shalt  }
0x6b: {  	_ =	shalt  }
0x6c: {  	_ =	shalt  }
0x6d: {  	_ =	shalt  }
0x6e: {  	_ =	shalt  }
0x6f: {  	_ =	shalt  }
0x70: {  	_ =	shalt  }
0x71: {  	_ =	shalt  }
0x72: {  	_ =	shalt  }
0x73: {  	_ =	shalt  }
0x74: {  	_ =	shalt  }
0x75: {  	_ =	shalt  }
0x76: {  	_ =	shalt  }
0x77: {  	_ =	shalt  }
0x78: {  	_ =	shalt  }
0x79: {  	_ =	shalt  }
0x7a: {  	_ =	shalt  }
0x7b: {  	_ =	shalt  }
0x7c: {  	_ =	shalt  }
0x7d: {  	_ =	shalt  }
0x7e: {  	_ =	shalt  }
0x7f: {  	_ =	shalt  }
0x80: {  	_ =	shalt  }
0x81: {  	_ =	shalt  }
0x82: {  	_ =	shalt  }
0x83: {  	_ =	shalt  }
0x84: {  	_ =	shalt  }
0x85: {  	_ =	shalt  }
0x86: {  	_ =	shalt  }
0x87: {  	_ =	shalt  }
.Lfunc_end0:
.L_simem_size_0:
called_computation_lowered:
.L_overlay_start_0:
0x88: {  	s2 =	sld [smem:$0x3FD9]  }
0x89: {  	s3 =	sld [smem:$0x3FFE];
	_ =	sdelay $0x1  }
0x8a: {  	s1 =	srdreg.scid  }
0x8b: {  	s0 =	sand.u32 $0x1, s1  }
0x8c: {  	s16 =	sshll.u32 s0, $0xA;
	s2 =	sadd.s32 s3, s2  }
0x8d: {  	s2 =	sadd.s32 s2, s16  }
0x8e: {  	[smem:$0x3FC2] =	sst s2  }
0x8f: {  	_ = 	snop  }
0x90: {  	(tm) =	ssettm $0x1  }
0x91: {  	s17 =	sld [smem:$0x3FFB];
	_ =	sdelay $0x3  }
0x92: {  	_ =	strace s17  }
0x93: {  	s2 =	sld [smem:$0x3FFC];
	_ =	sdelay $0x3  }
0x94: {  	_ =	strace s2  }
0x95: {  	s2 =	sld [smem:$0x3FFD];
	_ =	sdelay $0x3  }
0x96: {  	_ =	strace s2  }
0x97: {  	_ =	strace $0x8FFFFFFF  }
0x98: {  	s18 =	sld [smem:$0x3FDB];
	_ =	sdelay $0x1  }
0x99: {  	s19 =	simm.s32 $_scs_section_size  }
0x9a: {  	s4 =	simm.s32 $_size__tile_overlayer_lowered;
	s5 =	simm.s32 $_tile_overlayer_lowered  }
0x9b: {  	s22 =	simm.s32 $0x1BFF;
	s21 =	sshll.u32 s5, $0x1;
	s2 =	sadd.s32 s19, s18  }
0x9c: {  	s6 =	simm.s32 $0x0;
	s20 =	sshll.u32 s4, $0x1;
	s4 =	sadd.s32 s21, s2  }
0x9d: {  	[timem:s6], [sflag:s22] =	dma.local [hbm:s4], s20  }
0x9e: {  	_ =	swait.ge [sflag:s22], s20  }
0x9f: {  	s3 =	ssub.s32 $0x0, s20;
	[sflag:s22] =	ssyncset.done $0x0  }
0xa0: {  	[sflag:s22] =	ssyncadd.s32 s3;
	_ =	sdelay $0x1  }
0xa1: {  	s23 =	simm.s32 $0x1B8B  }
0xa2: {  	_ =	swait.ge [sflag:s23], $0x1  }
0xa3: {  	[sflag:s23] =	ssyncset.done $0x0  }
0xa4: {  	s25 =	simm.s32 $0x1B8E;
	s24 =	sld [smem:$0x3FFE];
	[sflag:s23] =	ssyncadd.s32 $0xFFFFFFFF  }
0xa5: {  	s26 =	simm.s32 $execute0_lowered;
	[smem:$0x3FD2] =	sst s25  }
0xa6: {  	s4 =	sshll.u32 s26, $0x1;
	_ =	strace $0x80000046;
	[dreg:$0x1] =	wrdreg $0xFFFFFFFF  }
0xa7: {  	s28 =	simm.s32 $_size_execute0_lowered;
	s2 =	sadd.s32 s2, s4;
	[dreg:$0x0] =	wrdreg $0x0  }
0xa8: {  	s4 =	sshll.u32 s28, $0x1;
	[dreg:$0x2] =	wrdreg s2  }
0xa9: {  	[dreg:$0x3] =	wrdreg s4  }
0xaa: {  	[dreg:$0x4] =	wrdreg $0xC0  }
0xab: {  	_ =	task [dreg:s6], $0x5FFFF  }
0xac: {  	[dreg:$0x1] =	wrdreg $0xFFFFFFFF  }
0xad: {  	[dreg:$0x0] =	wrdreg $0x60  }
0xae: {  	[dreg:$0x2] =	wrdreg s24  }
0xaf: {  	[dreg:$0x3] =	wrdreg $0x54800  }
0xb0: {  	[dreg:$0x4] =	wrdreg $0x9  }
0xb1: {  	_ =	task.clear_ibuf [dreg:s6], $0x5FFFF;
	_ =	strace $0x90000046  }
0xb2: {  	s29 =	simm.s32 $0x9;
	_ =	strace $0x80000048  }
0xb3: {  	_ =	swait.ge [sflag:s29], $0x1  }
0xb4: {  	[sflag:s29] =	ssyncadd.s32 $0xFFFFFFFF  }
0xb5: {  	_ =	strace $0x90000048  }
0xb6: {  	_ =	sfence  }
0xb7: {  	s30 =	sld [smem:$0x0];
	_ =	sdelay $0x2  }
0xb8: {  	s31 =	sshll.u32 s1, $0xD;
	s1 =	sshrl.u32 s1, $0x2  }
0xb9: {  	s3 =	sand.u32 $0x4000, s31;
	s1 =	sadd.s32 s1, s30  }
0xba: {  	s0 =	sor.u32 s3, s0;
	s1 =	sshll.u32 s1, $0x11  }
0xbb: {  	s0 =	sor.u32 s1, s0  }
0xbc: {  	s0 =	sadd.s32 $0x8F2B, s0  }
0xbd: {  	[sflag:s0] =	ssyncadd.remote.s32 $0x1  }
0xbe: {  	_ =	sfence.sel $0xFFFF  }
0xbf: {  	[dreg:$0x0] =	wrdreg $0xFFFFFFFF;
	(pc) =	sbr.abs _section_cstart, $3  }
0xc0: {  	[dreg:$0x1] =	wrdreg $0xFFFFFFFF  }
0xc1: {  	_ =	task.clear_ibuf [dreg:s6], $0x2FFFF;
	_ =	strace $0x9FFFFFFF  }
0xc2: {  	(tm) =	ssettm $0x7FFFFFFF  }
0xc3: {  	_ =	shalt  }
tec
execute0_lowered:
.L_overlay_start_1:
0x0: {  	(tag) =	ssettag $0x1  }
0x1: {  	s0 =	srdreg.scid;
	s4 =	rddreg [dreg:$0x0]  }
0x2: {  	s5 =	rddreg [dreg:$0x1];
	s2 =	simm.s32 $0x0;
	s11 =	simm.s32 $0x400  }
0x3: {  	s12 =	simm.s32 $0x4F80;
	s13 =	simm.s32 $0x5200;
	s3 =	sand.u32 $0x1, s0  }
0x4: {  	s14 =	simm.s32 $0x0;
	s0 =	stileid.u32;
	s7 =	smul.u32 $0x2800, s3  }
0x5: {  	[smem:$0x7FF] =	sst s2;
	s1 =	sshll.u32 s3, $0x4;
	s8 =	smul.u32 $0x280, s0  }
0x6: {  	s26 =	sshrl.u32 s0, $0x3;
	s3 =	ssub.s32 $0x2, s3;
	s9 =	smul.u32 $0x5000, s0  }
0x7: {  	s29 =	sshll.u32 s0, $0x7;
	s1 =	sor.u32 s0, s1;
	s28 =	sshrl.u32 s3, $0x1  }
0x8: {  	s31 =	sand.u32 $0x380, s29;
	s6 =	smul.u32 $0x4E2, s1;
	s1 =	rddreg [dreg:$0x2]  }
0x9: {  	_ =	strace $0x80000047;
	s7 =	sadd.s32 s8, s7;
	s8 =	smul.u32 $0x50000, s26  }
0xa: {  	s10 =	ssub.s32 s3, s28;
	s9 =	sshrl.u32 s9, $0x2;
	s7 =	sshrl.u32 s7, $0x3  }
0xb: {  	s6 =	sadd.s32 s6, s4;
	s7 =	sadd.s32 s7, s4;
	s30 =	sshrl.u32 s8, $0x2  }
0xc: {  	s8 =	simm.s32 $0x1;
	s4 =	sadd.s32 s30, s5;
	s3 =	sadd.s32 $0x2800, s6  }
0xd: {  	s5 =	sadd.s32 s9, s5;
	s6 =	sadd.s32 $0xC600, s7;
	s7 =	smax.u32 s10, $0x1  }
0xe: {  	v0 =	vimm.f32 $0.0e+00;
	v1 =	vimm.f32 $1.000000000e+00;
	s9 =	simm.s32 $0x2780;
	s10 =	simm.s32 $0x80;
	s4 =	sadd.s32 s31, s4  }
.LBB2_1:
0xf: {  	s15 =	simm.s32 $0x40;
	s16 =	simm.s32 $0x0  }
.LBB2_2:
0x10: {  	p0 =	sne.s32 s15, $0x9FC0;
	[tilespmem:s16+$0x2780] =	vst v0;
	s16 =	smov.u32 s15;
	s15 =	sadd.s32 $0x40, s15  }
.Ltmp0:
0x11: {  	(pc) =	sbr.rel @p0 .LBB2_2-.Ltmp0, $2  }
0x12: {  	_ =	sdelay $0x2  }
0x13: {  	s16 =	sshra.s32 s16, $0x2  }
0x14: {  	[tilespmem:s16+$0x2780] =	vst v0;
	s15 =	simm.s32 $0x0  }
0x15: {  	[tilespmem:s15], [sflag:$0x1] =	stream.linear.gather [hbm4b:s3+s15], $0x2710, $0x38;
	[tilespmem:$0x7C80] =	vst v63  }
0x16: {  	_ =	swait.ge [sflag:s8], $0x2710  }
0x17: {  	[sflag:s8] =	ssyncset.done $0x0  }
0x18: {  	s16 =	simm.s32 $0x0;
	s15 =	simm.s32 $0x40;
	[sflag:s8] =	ssyncadd.s32 $0xFFFFD8F0  }
.LBB2_4:
0x19: {  	p0 =	sne.s32 s15, $0x9C00;
	v2 =	vld [tilespmem:s16+$0x0];
	_ =	sdelay $0x3  }
.Ltmp1:
0x1a: {  	(pc) =	sbr.rel @p0 .LBB2_4-.Ltmp1, $2  }
0x1b: {  	_ =	sdelay $0x2  }
0x1c: {  	s16 =	sshra.s32 s15, $0x2;
	s15 =	sadd.s32 $0x40, s15;
	[tilespmem:v2+s9+$0x0] =	vst.idx.add.f32.msk $0xffff, v1  }
0x1d: {  	v2 =	vld [tilespmem:s16+$0x0];
	_ =	sdelay $0x7  }
0x1e: {  	[tilespmem:v2+s9+$0x0] =	vst.idx.add.f32.msk $0xffff, v1  }
0x1f: {  	[spmem:s4] =	stream.strided.scatter [tilespmem:s9], [sflag:$0x1], $0x2800, s11, s10, $0x38;
	[tilespmem:$0x7C80] =	vst v63  }
0x20: {  	_ =	swait.ge [sflag:s8], $0x2800  }
0x21: {  	[sflag:s8] =	ssyncset.done $0x0  }
0x22: {  	[sflag:s8] =	ssyncadd.s32 $0xFFFFD800  }
0x23: {  	[bflag:$0x0] =	sbarrier.arrive $0xFFFF  }
0x24: {  	[tilespmem:$0x5200] =	vst v0  }
0x25: {  	[tilespmem:$0x5210] =	vst v0  }
0x26: {  	[tilespmem:$0x5220] =	vst v0  }
0x27: {  	[tilespmem:$0x5230] =	vst v0  }
0x28: {  	[tilespmem:$0x5240] =	vst v0  }
0x29: {  	[tilespmem:$0x5250] =	vst v0  }
0x2a: {  	[tilespmem:$0x5260] =	vst v0  }
0x2b: {  	[tilespmem:$0x5270] =	vst v0  }
0x2c: {  	[tilespmem:$0x5280] =	vst v0  }
0x2d: {  	[tilespmem:$0x5290] =	vst v0  }
0x2e: {  	[tilespmem:$0x52A0] =	vst v0  }
0x2f: {  	[tilespmem:$0x52B0] =	vst v0  }
0x30: {  	[tilespmem:$0x52C0] =	vst v0  }
0x31: {  	[tilespmem:$0x52D0] =	vst v0  }
0x32: {  	[tilespmem:$0x52E0] =	vst v0  }
0x33: {  	[tilespmem:$0x52F0] =	vst v0  }
0x34: {  	[tilespmem:$0x5300] =	vst v0  }
0x35: {  	[tilespmem:$0x5310] =	vst v0  }
0x36: {  	[tilespmem:$0x5320] =	vst v0  }
0x37: {  	[tilespmem:$0x5330] =	vst v0  }
0x38: {  	[tilespmem:$0x5340] =	vst v0  }
0x39: {  	[tilespmem:$0x5350] =	vst v0  }
0x3a: {  	[tilespmem:$0x5360] =	vst v0  }
0x3b: {  	[tilespmem:$0x5370] =	vst v0  }
0x3c: {  	[tilespmem:$0x5380] =	vst v0  }
0x3d: {  	[tilespmem:$0x5390] =	vst v0  }
0x3e: {  	[tilespmem:$0x53A0] =	vst v0  }
0x3f: {  	[tilespmem:$0x53B0] =	vst v0  }
0x40: {  	[tilespmem:$0x53C0] =	vst v0  }
0x41: {  	[tilespmem:$0x53D0] =	vst v0  }
0x42: {  	[tilespmem:$0x53E0] =	vst v0  }
0x43: {  	[tilespmem:$0x53F0] =	vst v0  }
0x44: {  	[tilespmem:$0x5400] =	vst v0  }
0x45: {  	[tilespmem:$0x5410] =	vst v0  }
0x46: {  	[tilespmem:$0x5420] =	vst v0  }
0x47: {  	[tilespmem:$0x5430] =	vst v0  }
0x48: {  	[tilespmem:$0x5440] =	vst v0  }
0x49: {  	[tilespmem:$0x5450] =	vst v0  }
0x4a: {  	[tilespmem:$0x5460] =	vst v0  }
0x4b: {  	s15 =	simm.s32 $0x0;
	[tilespmem:$0x5470] =	vst v0  }
.LBB2_6:
0x4c: {  	s16 =	sshrl.u32 s15, $0x3  }
0x4d: {  	s16 =	smul.u32 $0x50000, s16;
	_ =	sdelay $0x1  }
0x4e: {  	s17 =	sshll.u32 s15, $0x7;
	s16 =	sshra.s32 s16, $0x2  }
0x4f: {  	s17 =	sand.u32 $0x380, s17;
	s16 =	sadd.s32 s16, s5  }
0x50: {  	s16 =	sadd.s32 s17, s16  }
0x51: {  	[tilespmem:s12], [sflag:$0x1] =	stream.strided.gather [spmem:s16], $0x280, s11, s10, $0x38;
	[tilespmem:$0x7C80] =	vst v63  }
0x52: {  	_ =	swait.ge [sflag:s8], $0x280  }
0x53: {  	[sflag:s8] =	ssyncset.done $0x0  }
0x54: {  	s16 =	simm.s32 $0x0;
	[sflag:s8] =	ssyncadd.s32 $0xFFFFFD80  }
0x55: {  	s17 =	simm.s32 $0x40;
	v2 =	vld [tilespmem:s16+$0x4F80]  }
.LBB2_7:
0x56: {  	p0 =	sne.s32 s17, $0x9C0;
	v3 =	vld [tilespmem:s16+$0x5200];
	_ =	sdelay $0x2  }
.Ltmp2:
0x57: {  	(pc) =	sbr.rel @p0 .LBB2_7-.Ltmp2, $4  }
0x58: {  	_ = 	snop  }
0x59: {  	v3 =	vadd.f32 v2, v3  }
0x5a: {  	s18 =	sshra.s32 s17, $0x2  }
0x5b: {  	s17 =	sadd.s32 $0x40, s17;
	v2 =	vld [tilespmem:s18+$0x4F80];
	[tilespmem:s16+$0x5200] =	vst v3;
	s16 =	smov.u32 s18  }
0x5c: {  	v3 =	vld [tilespmem:s16+$0x5200]  }
0x5d: {  	s15 =	sadd.s32 $0x1, s15  }
0x5e: {  	p0 =	sne.s32 s15, $0x10  }
.Ltmp3:
0x5f: {  	_ = 	snop;
	(pc) =	sbr.rel @p0 .LBB2_6-.Ltmp3, $3  }
0x60: {  	_ = 	snop  }
0x61: {  	v2 =	vadd.f32 v2, v3;
	_ =	sdelay $0x1  }
0x62: {  	[tilespmem:s16+$0x5200] =	vst v2  }
0x63: {  	s14 =	sadd.s32 $0x1, s14  }
0x64: {  	p0 =	sne.s32 s14, s7  }
.Ltmp4:
0x65: {  	_ = 	snop;
	(pc) =	sbr.rel @p0 .LBB2_1-.Ltmp4, $4  }
0x66: {  	[hbm4b:s6+s2] =	stream.linear.scatter [tilespmem:s13], [sflag:$0x1], $0x280, $0x38;
	[tilespmem:$0x7C80] =	vst v63  }
0x67: {  	_ =	swait.ge [sflag:s8], $0x280  }
0x68: {  	[sflag:s8] =	ssyncset.done $0x0  }
0x69: {  	[sflag:s8] =	ssyncadd.s32 $0xFFFFFD80  }
0x6a: {  	_ =	sfence.sel $0x180000  }
0x6b: {  	[bflag:$0x0] =	sbarrier.arrive $0xFFFF  }
0x6c: {  	p0 =	sne.s32 s0, $0x0;
	_ =	strace $0x90000047  }
0x6d: {  	s0 =	sadd.s32 @!p0 $0x100000, s1;
	[bflag:$0x2] =	sbarrier.arrive $0xFFFF  }
0x6e: {  	[sflag:s0] =	ssyncadd.tile.s32 @!p0 $0x1;
	_ =	shalt  }
.Lfunc_end2:
_tile_overlayer_lowered:
.L_overlay_start_2:
0x6f: {  	(tag) =	ssettag $0x2  }
0x70: {  	s0 =	rddreg [dreg:$0x0];
	s2 =	stileid.u32  }
0x71: {  	s1 =	rddreg [dreg:$0x1];
	p0 =	sne.s32 s2, $0x0  }
0x72: {  	s3 =	rddreg [dreg:$0x2];
	[bflag:$0x3] =	sbarrier.arrive $0xFFFF;
	s2 =	simm.s32 @!p0 $0x1C01  }
0x73: {  	[timem:s3], [sflag:s2] =	dma.local @!p0 [hbm:s0], s1  }
0x74: {  	s0 =	simm.s32 @!p0 $0x1  }
0x75: {  	_ =	swait.ge @!p0 [sflag:s0], s1  }
0x76: {  	s1 =	ssub.s32 @!p0 $0x0, s1;
	[sflag:s0] =	ssyncset.done @!p0 $0x0  }
0x77: {  	[sflag:s0] =	ssyncadd.s32 @!p0 s1  }
0x78: {  	[bflag:$0x3] =	sbarrier.arrive $0xFFFF  }
0x79: {  	_ =	shalt  }

</sc_bundles>
